<compile_context>
chip_gen: v7x
topology: tpu7x:2x2x1
jax: 0.10.2.dev20260603
libtpu: 0.0.44.dev20260713+nightly
codegen_flags: <defaults>
</compile_context>

<pallas_src>
import functools

import jax
import jax.numpy as jnp
from jax import lax
from jax.experimental import pallas as pl
from jax.experimental.pallas import tpu as pltpu
from jax.experimental.pallas import tpu_sc as plsc

_NUM_CORES = 2
_NUM_SUBCORES = 16
_NUM_WORKERS = _NUM_CORES * _NUM_SUBCORES
_LANES = 128


@functools.cache
def _make_repack_kernel(V, D, dtype, rows_per_block=2048):
    r = _LANES // D
    n_blocks = (V + rows_per_block - 1) // rows_per_block
    out_rows_per_block = rows_per_block // r

    def body(tab_ref, out_ref):
        x = tab_ref[...]
        for s in range(r):
            out_ref[:, s * D:(s + 1) * D] = x[s::r, :]

    return pl.pallas_call(
        body,
        grid=(n_blocks,),
        in_specs=[pl.BlockSpec((rows_per_block, D), lambda i: (i, 0))],
        out_specs=pl.BlockSpec((out_rows_per_block, _LANES),
                               lambda i: (i, 0)),
        out_shape=jax.ShapeDtypeStruct((n_blocks * out_rows_per_block, _LANES),
                                       dtype),
    )


@functools.cache
def _make_gather_kernel(B, V_pack, dtype):
    b_per_w = B // _NUM_WORKERS
    ch = 128
    n_ch = b_per_w // ch
    mesh = plsc.VectorSubcoreMesh(core_axis_name="c", subcore_axis_name="s")
    out = jax.ShapeDtypeStruct((B, _LANES), dtype)

    @functools.partial(
        pl.kernel,
        mesh=mesh,
        out_type=(out, out),
        scratch_types=[
            pltpu.VMEM((b_per_w,), jnp.int32),
            pltpu.VMEM((b_per_w,), jnp.int32),
            pltpu.VMEM((ch, _LANES), dtype),
            pltpu.VMEM((ch, _LANES), dtype),
            pltpu.SemaphoreType.DMA,
            pltpu.SemaphoreType.DMA,
        ],
    )
    def k(user_tab, item_tab, u_idx, i_idx, u_out, i_out,
          uidx_v, iidx_v, urows_v, irows_v, usem, isem):
        wid = lax.axis_index("s") * _NUM_CORES + lax.axis_index("c")
        base = wid * b_per_w
        pltpu.sync_copy(u_idx.at[pl.ds(base, b_per_w)], uidx_v)
        pltpu.sync_copy(i_idx.at[pl.ds(base, b_per_w)], iidx_v)

        @pl.loop(0, n_ch)
        def _(c):
            cbase = c * ch
            ucp = pltpu.async_copy(
                user_tab.at[uidx_v.at[pl.ds(cbase, ch)]], urows_v, usem)
            icp = pltpu.async_copy(
                item_tab.at[iidx_v.at[pl.ds(cbase, ch)]], irows_v, isem)
            ucp.wait()
            pltpu.sync_copy(urows_v, u_out.at[pl.ds(base + cbase, ch)])
            icp.wait()
            pltpu.sync_copy(irows_v, i_out.at[pl.ds(base + cbase, ch)])

    return k


@functools.cache
def _make_extract_kernel(B, D, dtype, rows_per_block=2048):
    r = _LANES // D
    n_blocks = B // rows_per_block

    def body(rows_ref, sub_ref, out_ref):
        rows = rows_ref[...]
        sub = sub_ref[...]
        acc = rows[:, 0:D]
        for s in range(1, r):
            acc = jnp.where(sub == s, rows[:, s * D:(s + 1) * D], acc)
        out_ref[...] = acc

    return pl.pallas_call(
        body,
        grid=(n_blocks,),
        in_specs=[
            pl.BlockSpec((rows_per_block, _LANES), lambda i: (i, 0)),
            pl.BlockSpec((rows_per_block, D), lambda i: (i, 0)),
        ],
        out_specs=pl.BlockSpec((rows_per_block, D), lambda i: (i, 0)),
        out_shape=jax.ShapeDtypeStruct((B, D), dtype),
    )


@jax.jit
def kernel(user, item, user_table, item_table):
    B = user.shape[0]
    V, D = user_table.shape
    r = _LANES // D
    v_pad = ((V + r - 1) // r) * r
    u_pack = jnp.pad(user_table, ((0, v_pad - V), (0, 0))).reshape(
        v_pad // r, _LANES)
    i_pack = jnp.pad(item_table, ((0, v_pad - V), (0, 0))).reshape(
        v_pad // r, _LANES)
    user = user.astype(jnp.int32)
    item = item.astype(jnp.int32)
    u_phys = user // r
    i_phys = item // r
    u_sub = user % r
    i_sub = item % r
    k = _make_gather_kernel(B, u_pack.shape[0], user_table.dtype)
    u_rows, i_rows = k(u_pack, i_pack, u_phys, i_phys)
    extract = _make_extract_kernel(B, D, user_table.dtype)
    u_sub32 = jnp.broadcast_to(u_sub[:, None], (B, D))
    i_sub32 = jnp.broadcast_to(i_sub[:, None], (B, D))
    return extract(u_rows, u_sub32), extract(i_rows, i_sub32)

# --- scband reference (transcript-rebuilt; emitter-appended) ---
"""Pipeline reference for scband-mf-embeds-22900765623068 (READ-ONLY COPY).

The authoritative reference and input builder live on the scoring server;
editing this copy changes nothing except your own understanding.
"""

import jax, jax.numpy as jnp
import numpy as np

NUM_USERS = 1000000
NUM_ITEMS = 1000000
LATENT_DIM = 32
BATCH = 16384

def setup_inputs(seed: int = 0) -> dict:
    key = jax.random.key(seed)
    k1, k2, k3, k4 = jax.random.split(key, 4)
    user = jax.random.randint(k1, (BATCH,), 0, NUM_USERS, dtype=jnp.int64) if jax.config.jax_enable_x64 else jax.random.randint(k1, (BATCH,), 0, NUM_USERS, dtype=jnp.int32)
    item = jax.random.randint(k2, (BATCH,), 0, NUM_ITEMS, dtype=jnp.int32)
    user_table = jax.random.uniform(k3, (NUM_USERS + 1, LATENT_DIM), dtype=jnp.float32, minval=-1.0, maxval=1.0)
    item_table = jax.random.uniform(k4, (NUM_ITEMS + 1, LATENT_DIM), dtype=jnp.float32, minval=-1.0, maxval=1.0)
    return {"user": user, "item": item, "user_table": user_table, "item_table": item_table}

def reference(user, item, user_table, item_table):
    user_emb = jnp.take(user_table, user, axis=0)
    item_emb = jnp.take(item_table, item, axis=0)
    return (user_emb, item_emb)

if __name__ == "__main__":
    import jax
    _d = setup_inputs()
    print(jax.jit(kernel)(*tuple(_d.values())))

</pallas_src>

<mosaic_0001>
#map = affine_map<(d0, d1) -> (0, 0)>
#map1 = affine_map<(d0, d1) -> (0)>
module attributes {stable_mosaic.version = 14 : i64} {
  func.func @k(%arg0: i32, %arg1: i32, %arg2: memref<250001x128xf32, #tpu.memory_space<hbm>>, %arg3: memref<250001x128xf32, #tpu.memory_space<hbm>>, %arg4: memref<16384xi32, #tpu.memory_space<hbm>>, %arg5: memref<16384xi32, #tpu.memory_space<hbm>>, %arg6: memref<16384x128xf32, #tpu.memory_space<hbm>>, %arg7: memref<16384x128xf32, #tpu.memory_space<hbm>>, %arg8: memref<512xi32, #tpu.memory_space<vmem>>, %arg9: memref<512xi32, #tpu.memory_space<vmem>>, %arg10: memref<128x128xf32, #tpu.memory_space<vmem>>, %arg11: memref<128x128xf32, #tpu.memory_space<vmem>>, %arg12: memref<!tpu.dma_semaphore, #tpu.memory_space<semaphore_mem>>, %arg13: memref<!tpu.dma_semaphore, #tpu.memory_space<semaphore_mem>>) attributes {dimension_semantics = [#tpu.dimension_semantics<core_parallel>, #tpu.dimension_semantics<subcore_parallel>], iteration_bounds = array<i64: 2, 16>, scalar_prefetch = 0 : i64, scratch_operands = 6 : i64, tpu.core_type = #tpu.core_type<sc_vector_subcore>, window_params = [{transform_indices = #map}, {transform_indices = #map}, {transform_indices = #map1}, {transform_indices = #map1}, {transform_indices = #map}, {transform_indices = #map}]} {
    %mul3A = arith.constant 2 : i32
    %mul3A_0 = arith.muli %arg1, %mul3A : i32
    %add3A = arith.addi %mul3A_0, %arg0 : i32
    %mul3A_1 = arith.constant 512 : i32
    %mul3A_2 = arith.muli %add3A, %mul3A_1 : i32
    "tpu.region"() ({
      %run_scoped3A = tpu.sem_alloc : memref<!tpu.dma_semaphore, #tpu.memory_space<semaphore_mem>>
      %dma_start3A = tpu.memref_slice %arg4[%mul3A_2] : memref<16384xi32, #tpu.memory_space<hbm>> -> memref<512xi32, #tpu.memory_space<hbm>>
      %dma_start3A_7 = tpu.memref_slice %arg4[%mul3A_2] : memref<16384xi32, #tpu.memory_space<hbm>> -> memref<512xi32, #tpu.memory_space<hbm>>
      tpu.enqueue_dma source(%dma_start3A_7 : memref<512xi32, #tpu.memory_space<hbm>>) target(%arg8 : memref<512xi32, #tpu.memory_space<vmem>>) target_semaphore(%run_scoped3A : memref<!tpu.dma_semaphore, #tpu.memory_space<semaphore_mem>>)
      %dma_wait3A = tpu.memref_slice %arg4[%mul3A_2] : memref<16384xi32, #tpu.memory_space<hbm>> -> memref<512xi32, #tpu.memory_space<hbm>>
      %dma_wait3A_8 = tpu.memref_slice %arg4[%mul3A_2] : memref<16384xi32, #tpu.memory_space<hbm>> -> memref<512xi32, #tpu.memory_space<hbm>>
      tpu.wait_dma2 semaphore(%run_scoped3A : memref<!tpu.dma_semaphore, #tpu.memory_space<semaphore_mem>>) src(%dma_wait3A_8 : memref<512xi32, #tpu.memory_space<hbm>>) dst(%arg8 : memref<512xi32, #tpu.memory_space<vmem>>)
      tpu.yield
    }) : () -> ()
    "tpu.region"() ({
      %run_scoped3A = tpu.sem_alloc : memref<!tpu.dma_semaphore, #tpu.memory_space<semaphore_mem>>
      %dma_start3A = tpu.memref_slice %arg5[%mul3A_2] : memref<16384xi32, #tpu.memory_space<hbm>> -> memref<512xi32, #tpu.memory_space<hbm>>
      %dma_start3A_7 = tpu.memref_slice %arg5[%mul3A_2] : memref<16384xi32, #tpu.memory_space<hbm>> -> memref<512xi32, #tpu.memory_space<hbm>>
      tpu.enqueue_dma source(%dma_start3A_7 : memref<512xi32, #tpu.memory_space<hbm>>) target(%arg9 : memref<512xi32, #tpu.memory_space<vmem>>) target_semaphore(%run_scoped3A : memref<!tpu.dma_semaphore, #tpu.memory_space<semaphore_mem>>)
      %dma_wait3A = tpu.memref_slice %arg5[%mul3A_2] : memref<16384xi32, #tpu.memory_space<hbm>> -> memref<512xi32, #tpu.memory_space<hbm>>
      %dma_wait3A_8 = tpu.memref_slice %arg5[%mul3A_2] : memref<16384xi32, #tpu.memory_space<hbm>> -> memref<512xi32, #tpu.memory_space<hbm>>
      tpu.wait_dma2 semaphore(%run_scoped3A : memref<!tpu.dma_semaphore, #tpu.memory_space<semaphore_mem>>) src(%dma_wait3A_8 : memref<512xi32, #tpu.memory_space<hbm>>) dst(%arg9 : memref<512xi32, #tpu.memory_space<vmem>>)
      tpu.yield
    }) : () -> ()
    %scan3A = arith.constant 0 : i32
    %scan3A_3 = arith.constant 4 : i32
    %scan3A_4 = arith.addi %scan3A, %scan3A_3 : i32
    %scan3A_5 = arith.constant 1 : i32
    scf.for %scan3A_7 = %scan3A to %scan3A_4 step %scan3A_5  : i32 {
      %mul3A_8 = arith.constant 1 : i32
      %mul3A_9 = arith.muli %scan3A_7, %mul3A_8 : i32
      %add3A_10 = arith.constant 0 : i32
      %add3A_11 = arith.addi %add3A_10, %mul3A_9 : i32
      %mul3A_12 = arith.constant 128 : i32
      %mul3A_13 = arith.muli %add3A_11, %mul3A_12 : i32
      %dma_start3A = tpu.memref_slice %arg8[%mul3A_13] : memref<512xi32, #tpu.memory_space<vmem>> -> memref<128xi32, #tpu.memory_space<vmem>>
      %dma_start3A_14 = arith.constant 0 : i32
      %dma_start3A_15 = arith.constant 0 : i32
      %dma_start3A_16 = tpu.memref_slice %arg2[%dma_start3A_14, %dma_start3A_15] : memref<250001x128xf32, #tpu.memory_space<hbm>> -> memref<250001x128xf32, #tpu.memory_space<hbm>>
      tpu.enqueue_indirect_dma source(%dma_start3A_16 : memref<250001x128xf32, #tpu.memory_space<hbm>>) target(%arg10 : memref<128x128xf32, #tpu.memory_space<vmem>>) offsets(%dma_start3A : memref<128xi32, #tpu.memory_space<vmem>>) semaphore(%arg12 : memref<!tpu.dma_semaphore, #tpu.memory_space<semaphore_mem>>)
      %dma_start3A_17 = tpu.memref_slice %arg9[%mul3A_13] : memref<512xi32, #tpu.memory_space<vmem>> -> memref<128xi32, #tpu.memory_space<vmem>>
      %dma_start3A_18 = arith.constant 0 : i32
      %dma_start3A_19 = arith.constant 0 : i32
      %dma_start3A_20 = tpu.memref_slice %arg3[%dma_start3A_18, %dma_start3A_19] : memref<250001x128xf32, #tpu.memory_space<hbm>> -> memref<250001x128xf32, #tpu.memory_space<hbm>>
      tpu.enqueue_indirect_dma source(%dma_start3A_20 : memref<250001x128xf32, #tpu.memory_space<hbm>>) target(%arg11 : memref<128x128xf32, #tpu.memory_space<vmem>>) offsets(%dma_start3A_17 : memref<128xi32, #tpu.memory_space<vmem>>) semaphore(%arg13 : memref<!tpu.dma_semaphore, #tpu.memory_space<semaphore_mem>>)
      %dma_wait3A = tpu.memref_slice %arg8[%mul3A_13] : memref<512xi32, #tpu.memory_space<vmem>> -> memref<128xi32, #tpu.memory_space<vmem>>
      %dma_wait3A_21 = arith.constant 0 : i32
      %dma_wait3A_22 = arith.constant 0 : i32
      %dma_wait3A_23 = tpu.memref_slice %arg2[%dma_wait3A_21, %dma_wait3A_22] : memref<250001x128xf32, #tpu.memory_space<hbm>> -> memref<250001x128xf32, #tpu.memory_space<hbm>>
      tpu.wait_indirect_dma semaphore(%arg12 : memref<!tpu.dma_semaphore, #tpu.memory_space<semaphore_mem>>) src(%dma_wait3A_23 : memref<250001x128xf32, #tpu.memory_space<hbm>>) dst(%arg10 : memref<128x128xf32, #tpu.memory_space<vmem>>)
      %add3A_24 = arith.addi %mul3A_2, %mul3A_13 : i32
      "tpu.region"() ({
        %run_scoped3A = tpu.sem_alloc : memref<!tpu.dma_semaphore, #tpu.memory_space<semaphore_mem>>
        %dma_start3A_30 = arith.constant 0 : i32
        %dma_start3A_31 = tpu.memref_slice %arg6[%add3A_24, %dma_start3A_30] : memref<16384x128xf32, #tpu.memory_space<hbm>> -> memref<128x128xf32, #tpu.memory_space<hbm>>
        %dma_start3A_32 = arith.constant 0 : i32
        %dma_start3A_33 = tpu.memref_slice %arg6[%add3A_24, %dma_start3A_32] : memref<16384x128xf32, #tpu.memory_space<hbm>> -> memref<128x128xf32, #tpu.memory_space<hbm>>
        tpu.enqueue_dma source(%arg10 : memref<128x128xf32, #tpu.memory_space<vmem>>) target(%dma_start3A_33 : memref<128x128xf32, #tpu.memory_space<hbm>>) target_semaphore(%run_scoped3A : memref<!tpu.dma_semaphore, #tpu.memory_space<semaphore_mem>>)
        %dma_wait3A_34 = arith.constant 0 : i32
        %dma_wait3A_35 = tpu.memref_slice %arg6[%add3A_24, %dma_wait3A_34] : memref<16384x128xf32, #tpu.memory_space<hbm>> -> memref<128x128xf32, #tpu.memory_space<hbm>>
        %dma_wait3A_36 = arith.constant 0 : i32
        %dma_wait3A_37 = tpu.memref_slice %arg6[%add3A_24, %dma_wait3A_36] : memref<16384x128xf32, #tpu.memory_space<hbm>> -> memref<128x128xf32, #tpu.memory_space<hbm>>
        tpu.wait_dma2 semaphore(%run_scoped3A : memref<!tpu.dma_semaphore, #tpu.memory_space<semaphore_mem>>) src(%arg10 : memref<128x128xf32, #tpu.memory_space<vmem>>) dst(%dma_wait3A_37 : memref<128x128xf32, #tpu.memory_space<hbm>>)
        tpu.yield
      }) : () -> ()
      %dma_wait3A_25 = tpu.memref_slice %arg9[%mul3A_13] : memref<512xi32, #tpu.memory_space<vmem>> -> memref<128xi32, #tpu.memory_space<vmem>>
      %dma_wait3A_26 = arith.constant 0 : i32
      %dma_wait3A_27 = arith.constant 0 : i32
      %dma_wait3A_28 = tpu.memref_slice %arg3[%dma_wait3A_26, %dma_wait3A_27] : memref<250001x128xf32, #tpu.memory_space<hbm>> -> memref<250001x128xf32, #tpu.memory_space<hbm>>
      tpu.wait_indirect_dma semaphore(%arg13 : memref<!tpu.dma_semaphore, #tpu.memory_space<semaphore_mem>>) src(%dma_wait3A_28 : memref<250001x128xf32, #tpu.memory_space<hbm>>) dst(%arg11 : memref<128x128xf32, #tpu.memory_space<vmem>>)
      %add3A_29 = arith.addi %mul3A_2, %mul3A_13 : i32
      "tpu.region"() ({
        %run_scoped3A = tpu.sem_alloc : memref<!tpu.dma_semaphore, #tpu.memory_space<semaphore_mem>>
        %dma_start3A_30 = arith.constant 0 : i32
        %dma_start3A_31 = tpu.memref_slice %arg7[%add3A_29, %dma_start3A_30] : memref<16384x128xf32, #tpu.memory_space<hbm>> -> memref<128x128xf32, #tpu.memory_space<hbm>>
        %dma_start3A_32 = arith.constant 0 : i32
        %dma_start3A_33 = tpu.memref_slice %arg7[%add3A_29, %dma_start3A_32] : memref<16384x128xf32, #tpu.memory_space<hbm>> -> memref<128x128xf32, #tpu.memory_space<hbm>>
        tpu.enqueue_dma source(%arg11 : memref<128x128xf32, #tpu.memory_space<vmem>>) target(%dma_start3A_33 : memref<128x128xf32, #tpu.memory_space<hbm>>) target_semaphore(%run_scoped3A : memref<!tpu.dma_semaphore, #tpu.memory_space<semaphore_mem>>)
        %dma_wait3A_34 = arith.constant 0 : i32
        %dma_wait3A_35 = tpu.memref_slice %arg7[%add3A_29, %dma_wait3A_34] : memref<16384x128xf32, #tpu.memory_space<hbm>> -> memref<128x128xf32, #tpu.memory_space<hbm>>
        %dma_wait3A_36 = arith.constant 0 : i32
        %dma_wait3A_37 = tpu.memref_slice %arg7[%add3A_29, %dma_wait3A_36] : memref<16384x128xf32, #tpu.memory_space<hbm>> -> memref<128x128xf32, #tpu.memory_space<hbm>>
        tpu.wait_dma2 semaphore(%run_scoped3A : memref<!tpu.dma_semaphore, #tpu.memory_space<semaphore_mem>>) src(%arg11 : memref<128x128xf32, #tpu.memory_space<vmem>>) dst(%dma_wait3A_37 : memref<128x128xf32, #tpu.memory_space<hbm>>)
        tpu.yield
      }) : () -> ()
    }
    %scan3A_6 = arith.constant 4 : i32
    return
  }
}

module attributes {stable_mosaic.version = 14 : i64} {
  func.func @body(%arg0: i32, %arg1: memref<2048x128xf32, #tpu.memory_space<vmem>>, %arg2: memref<2048x32xi32, #tpu.memory_space<vmem>>, %arg3: memref<2048x32xf32, #tpu.memory_space<vmem>>) attributes {dimension_semantics = [#tpu.dimension_semantics<arbitrary>], iteration_bounds = array<i64: 8>, scalar_prefetch = 0 : i64, scratch_operands = 0 : i64, tpu.core_type = #tpu.core_type<tc>, window_params = [{transform_indices = @transform_0, window_bounds = array<i64: 2048, 128>}, {transform_indices = @transform_1, window_bounds = array<i64: 2048, 32>}, {transform_indices = @transform_2, window_bounds = array<i64: 2048, 32>}]} {
    %get3A = arith.constant 0 : index
    %get3A_0 = arith.constant 0 : index
    %get3A_1 = vector.load %arg1[%get3A, %get3A_0] : memref<2048x128xf32, #tpu.memory_space<vmem>>, vector<2048x128xf32>
    %get3A_2 = arith.constant 0 : index
    %get3A_3 = arith.constant 0 : index
    %get3A_4 = vector.load %arg2[%get3A_2, %get3A_3] : memref<2048x32xi32, #tpu.memory_space<vmem>>, vector<2048x32xi32>
    %slice3A = vector.extract_strided_slice %get3A_1 {offsets = [0, 0], sizes = [2048, 32], strides = [1, 1]} : vector<2048x128xf32> to vector<2048x32xf32>
    %eq3A = arith.constant 1 : i32
    %eq3A_5 = vector.broadcast %eq3A : i32 to vector<2048x32xi32>
    %eq3A_6 = arith.cmpi eq, %get3A_4, %eq3A_5 : vector<2048x32xi32>
    %slice3A_7 = vector.extract_strided_slice %get3A_1 {offsets = [0, 32], sizes = [2048, 32], strides = [1, 1]} : vector<2048x128xf32> to vector<2048x32xf32>
    %select_n3A = arith.select %eq3A_6, %slice3A_7, %slice3A : vector<2048x32xi1>, vector<2048x32xf32>
    %eq3A_8 = arith.constant 2 : i32
    %eq3A_9 = vector.broadcast %eq3A_8 : i32 to vector<2048x32xi32>
    %eq3A_10 = arith.cmpi eq, %get3A_4, %eq3A_9 : vector<2048x32xi32>
    %slice3A_11 = vector.extract_strided_slice %get3A_1 {offsets = [0, 64], sizes = [2048, 32], strides = [1, 1]} : vector<2048x128xf32> to vector<2048x32xf32>
    %select_n3A_12 = arith.select %eq3A_10, %slice3A_11, %select_n3A : vector<2048x32xi1>, vector<2048x32xf32>
    %eq3A_13 = arith.constant 3 : i32
    %eq3A_14 = vector.broadcast %eq3A_13 : i32 to vector<2048x32xi32>
    %eq3A_15 = arith.cmpi eq, %get3A_4, %eq3A_14 : vector<2048x32xi32>
    %slice3A_16 = vector.extract_strided_slice %get3A_1 {offsets = [0, 96], sizes = [2048, 32], strides = [1, 1]} : vector<2048x128xf32> to vector<2048x32xf32>
    %select_n3A_17 = arith.select %eq3A_15, %slice3A_16, %select_n3A_12 : vector<2048x32xi1>, vector<2048x32xf32>
    %swap3A = arith.constant 0 : index
    %swap3A_18 = arith.constant 0 : index
    %swap3A_19 = vector.load %arg3[%swap3A, %swap3A_18] : memref<2048x32xf32, #tpu.memory_space<vmem>>, vector<2048x32xf32>
    tpu.vector_store %arg3[%swap3A, %swap3A_18], %select_n3A_17 {strides = array<i32>} : memref<2048x32xf32, #tpu.memory_space<vmem>>, vector<2048x32xf32>,
    return
  }
  func.func @transform_0(%arg0: i32) -> (i32, i32) {
    %c0_i32 = arith.constant 0 : i32
    %c0_i32_0 = arith.constant 0 : i32
    return %arg0, %c0_i32 : i32, i32
  }
  func.func @transform_1(%arg0: i32) -> (i32, i32) {
    %c0_i32 = arith.constant 0 : i32
    %c0_i32_0 = arith.constant 0 : i32
    return %arg0, %c0_i32 : i32, i32
  }
  func.func @transform_2(%arg0: i32) -> (i32, i32) {
    %c0_i32 = arith.constant 0 : i32
    %c0_i32_0 = arith.constant 0 : i32
    return %arg0, %c0_i32 : i32, i32
  }
}

</mosaic_0001>

<sc_bundles>
// kernel: kernel.5.cloned.1.call-start
scs
__scs_entry_jumppad:
0x0: {  	(pc) =	sbr.rel $0x88, $3  }
0x1: {  	(tag) =	ssettag $0x0;
	lr =	simm.s32 $0x1  }
0x2: {  	[smem:$0x3F9D] =	sst lr;
	_ =	strace $0xD0000000  }
0x3: {  	_ = 	snop  }
0x4: {  	_ = 	snop  }
0x5: {  	_ = 	snop  }
0x6: {  	_ = 	snop  }
0x7: {  	_ = 	snop  }
__scs_overlays_trampoline_lowered:
0x8: {  	[smem:$0x3FAC] =	sst s0  }
0x9: {  	[smem:$0x3FAD] =	sst s1  }
0xa: {  	[smem:$0x3FAE] =	sst s2  }
0xb: {  	[smem:$0x3FAF] =	sst s3  }
0xc: {  	[smem:$0x3FB0] =	sst s4  }
0xd: {  	[smem:$0x3FB1] =	sst s5  }
0xe: {  	[smem:$0x3FB2] =	sst s6  }
0xf: {  	[smem:$0x3FB3] =	sst s7  }
0x10: {  	[smem:$0x3FB4] =	sst s8  }
0x11: {  	[smem:$0x3FB5] =	sst s9;
	s0 =	simm.s32 @!p0 $0x0  }
0x12: {  	s1 =	sld [smem:$0x3F9B];
	s0 =	simm.s32 @p0 $0x1  }
0x13: {  	[smem:$0x3FB6] =	sst s0;
	s0 =	simm.s32 @!p1 $0x0  }
0x14: {  	s2 =	sld [smem:$0x3F9A];
	s0 =	simm.s32 @p1 $0x1  }
0x15: {  	[smem:$0x3FB7] =	sst s0;
	s0 =	simm.s32 @!p2 $0x0  }
0x16: {  	s3 =	sld [smem:$0x3FDB];
	s0 =	simm.s32 @p2 $0x1  }
0x17: {  	s4 =	simm.s32 $0x1BF5;
	[smem:$0x3FB9] =	sst s0  }
0x18: {  	s0 =	sld [smem:$0x3F9C];
	_ =	swait.ge [sflag:s4], $0x0  }
0x19: {  	s7 =	sld [smem:$0x3F9D]  }
0x1a: {  	s8 =	sadd.s32 $0xFFFFE003, lr  }
0x1b: {  	s9 =	sadd.s32 $0xFFFFFEF7, lr;
	s5 =	simm.s32 $0xFFFFFFFF;
	p2 =	slt.u32 s8, $0xFFFFF086  }
0x1c: {  	p1 =	slt.u32 s9, $0xF7A;
	s5 =	simm.s32 @!p2 $0x0  }
0x1d: {  	s5 =	simm.s32 @p1 $0x1;
	p0 =	seq.s32 s7, s2  }
0x1e: {  	s7 =	smul.u32 @!p0 $0xF7A, s2;
	p2 =	seq.s32 @!p0 s5, $0x0  }
0x1f: {  	s9 =	smul.u32 $0xF7A, s1;
	s8 =	simm.s32 @!p0 $0x1BF5;
	p2 =	por !p2, p0  }
0x20: {  	[sflag:s8] =	ssyncset.s32 @!p0 $0xFFFFF086;
	s6 =	sadd.s32 @!p0 s3, s7;
	s7 =	simm.s32 @!p0 $0x108  }
0x21: {  	s3 =	sadd.s32 s3, s9;
	s6 =	sadd.s32 @!p0 $0x88, s6;
	s7 =	simm.s32 @p2 $0x1082  }
0x22: {  	[simem:s7], [sflag:s8] =	dma.local @!p0 [hbm:s6], $0xF7A  }
0x23: {  	s9 =	sor.u32 $0xD0000000, s2;
	s6 =	simm.s32 $0x108;
	_ =	swait.ge @!p0 [sflag:s8], $0x0  }
0x24: {  	s3 =	sadd.s32 $0x88, s3;
	s6 =	simm.s32 @!p1 $0x1082;
	[sflag:s4] =	ssyncset.s32 $0xFFFFF086  }
0x25: {  	[simem:s6], [sflag:s4] =	dma.local [hbm:s3], $0xF7A  }
0x26: {  	[smem:$0x3F9D] =	sst s1;
	(tag) =	ssettag s2;
	_ =	strace s9  }
0x27: {  	s1 =	sld [smem:$0x3FAD]  }
0x28: {  	s2 =	sld [smem:$0x3FAE]  }
0x29: {  	s4 =	sld [smem:$0x3FB0]  }
0x2a: {  	p0 =	seq.s32 s5, $0x0;
	s5 =	sld [smem:$0x3FB1]  }
0x2b: {  	s6 =	sld [smem:$0x3FB2]  }
0x2c: {  	s7 =	sld [smem:$0x3FB3]  }
0x2d: {  	s3 =	simm.s32 $0x108;
	s8 =	sld [smem:$0x3FB4]  }
0x2e: {  	s3 =	simm.s32 @!p0 $0x1082;
	s9 =	sld [smem:$0x3FB5]  }
0x2f: {  	lr =	sadd.s32 s0, s3;
	s0 =	sld [smem:$0x3FAC]  }
0x30: {  	s3 =	sld [smem:$0x3FAF]  }
0x31: {  	[smem:$0x3FB8] =	sst s10  }
0x32: {  	s10 =	sld [smem:$0x3FB6];
	_ =	sdelay $0x3  }
0x33: {  	p0 =	seq.s32 s10, $0x1;
	s10 =	sld [smem:$0x3FB8];
	_ =	sdelay $0x3  }
0x34: {  	[smem:$0x3FB8] =	sst s10  }
0x35: {  	s10 =	sld [smem:$0x3FB7];
	_ =	sdelay $0x3  }
0x36: {  	p1 =	seq.s32 s10, $0x1;
	s10 =	sld [smem:$0x3FB8];
	_ =	sdelay $0x3  }
0x37: {  	[smem:$0x3FB8] =	sst s10  }
0x38: {  	s10 =	sld [smem:$0x3FB9]  }
0x39: {  	_ = 	snop;
	(pc) =	sbr.ind lr, $3  }
0x3a: {  	_ = 	snop  }
0x3b: {  	_ = 	snop  }
0x3c: {  	p2 =	seq.s32 s10, $0x1;
	s10 =	sld [smem:$0x3FB8]  }
0x3d: {  	_ =	shalt  }
0x3e: {  	_ =	shalt  }
0x3f: {  	_ =	shalt  }
0x40: {  	_ =	shalt  }
0x41: {  	_ =	shalt  }
0x42: {  	_ =	shalt  }
0x43: {  	_ =	shalt  }
0x44: {  	_ =	shalt  }
0x45: {  	_ =	shalt  }
0x46: {  	_ =	shalt  }
0x47: {  	_ =	shalt  }
0x48: {  	_ =	shalt  }
0x49: {  	_ =	shalt  }
0x4a: {  	_ =	shalt  }
0x4b: {  	_ =	shalt  }
0x4c: {  	_ =	shalt  }
0x4d: {  	_ =	shalt  }
0x4e: {  	_ =	shalt  }
0x4f: {  	_ =	shalt  }
0x50: {  	_ =	shalt  }
0x51: {  	_ =	shalt  }
0x52: {  	_ =	shalt  }
0x53: {  	_ =	shalt  }
0x54: {  	_ =	shalt  }
0x55: {  	_ =	shalt  }
0x56: {  	_ =	shalt  }
0x57: {  	_ =	shalt  }
0x58: {  	_ =	shalt  }
0x59: {  	_ =	shalt  }
0x5a: {  	_ =	shalt  }
0x5b: {  	_ =	shalt  }
0x5c: {  	_ =	shalt  }
0x5d: {  	_ =	shalt  }
0x5e: {  	_ =	shalt  }
0x5f: {  	_ =	shalt  }
0x60: {  	_ =	shalt  }
0x61: {  	_ =	shalt  }
0x62: {  	_ =	shalt  }
0x63: {  	_ =	shalt  }
0x64: {  	_ =	shalt  }
0x65: {  	_ =	shalt  }
0x66: {  	_ =	shalt  }
0x67: {  	_ =	shalt  }
0x68: {  	_ =	shalt  }
0x69: {  	_ =	shalt  }
0x6a: {  	_ =	shalt  }
0x6b: {  	_ =	shalt  }
0x6c: {  	_ =	shalt  }
0x6d: {  	_ =	shalt  }
0x6e: {  	_ =	shalt  }
0x6f: {  	_ =	shalt  }
0x70: {  	_ =	shalt  }
0x71: {  	_ =	shalt  }
0x72: {  	_ =	shalt  }
0x73: {  	_ =	shalt  }
0x74: {  	_ =	shalt  }
0x75: {  	_ =	shalt  }
0x76: {  	_ =	shalt  }
0x77: {  	_ =	shalt  }
0x78: {  	_ =	shalt  }
0x79: {  	_ =	shalt  }
0x7a: {  	_ =	shalt  }
0x7b: {  	_ =	shalt  }
0x7c: {  	_ =	shalt  }
0x7d: {  	_ =	shalt  }
0x7e: {  	_ =	shalt  }
0x7f: {  	_ =	shalt  }
0x80: {  	_ =	shalt  }
0x81: {  	_ =	shalt  }
0x82: {  	_ =	shalt  }
0x83: {  	_ =	shalt  }
0x84: {  	_ =	shalt  }
0x85: {  	_ =	shalt  }
0x86: {  	_ =	shalt  }
0x87: {  	_ =	shalt  }
.Lfunc_end0:
.L_simem_size_0:
called_computation.2_lowered:
.L_overlay_start_0:
0x88: {  	s2 =	sld [smem:$0x3FD9]  }
0x89: {  	s3 =	sld [smem:$0x3FFE];
	_ =	sdelay $0x1  }
0x8a: {  	s1 =	srdreg.scid  }
0x8b: {  	s0 =	sand.u32 $0x1, s1  }
0x8c: {  	s14 =	sshll.u32 s0, $0xA;
	s2 =	sadd.s32 s3, s2  }
0x8d: {  	s2 =	sadd.s32 s2, s14  }
0x8e: {  	[smem:$0x3FC4] =	sst s2  }
0x8f: {  	_ = 	snop  }
0x90: {  	s2 =	sld [smem:$0x3FD0];
	_ =	sdelay $0x2  }
0x91: {  	s15 =	simm.s32 $0xB;
	s4 =	simm.s32 $0x10  }
0x92: {  	[smem:s4], [sflag:s15] =	dma.local [hbm:s2], $0x1  }
0x93: {  	_ =	swait.eq [sflag:s15], $0x1  }
0x94: {  	[sflag:s15] =	ssyncset.done $0x0  }
0x95: {  	[sflag:s15] =	ssyncadd.s32 $0xFFFFFFFF  }
0x96: {  	s16 =	sld [smem:$0x10];
	(tm) =	ssettm $0x1  }
0x97: {  	s17 =	sld [smem:$0x3FFB];
	_ =	sdelay $0x3  }
0x98: {  	_ =	strace s17  }
0x99: {  	s3 =	sld [smem:$0x3FFC];
	_ =	sdelay $0x3  }
0x9a: {  	_ =	strace s3  }
0x9b: {  	s3 =	sld [smem:$0x3FFD];
	_ =	sdelay $0x3  }
0x9c: {  	_ =	strace s3  }
0x9d: {  	_ =	strace $0x8FFFFFFF  }
0x9e: {  	s18 =	sld [smem:$0x3FDB];
	_ =	sdelay $0x1  }
0x9f: {  	s19 =	simm.s32 $_scs_section_size  }
0xa0: {  	s5 =	simm.s32 $_size__tile_overlayer_lowered;
	s6 =	simm.s32 $_tile_overlayer_lowered  }
0xa1: {  	s22 =	simm.s32 $0x1BFF;
	s21 =	sshll.u32 s6, $0x1;
	s3 =	sadd.s32 s19, s18  }
0xa2: {  	s7 =	simm.s32 $0x0;
	s20 =	sshll.u32 s5, $0x1;
	s5 =	sadd.s32 s21, s3  }
0xa3: {  	[timem:s7], [sflag:s22] =	dma.local [hbm:s5], s20  }
0xa4: {  	_ =	swait.ge [sflag:s22], s20  }
0xa5: {  	s4 =	ssub.s32 $0x0, s20;
	[sflag:s22] =	ssyncset.done $0x0  }
0xa6: {  	[sflag:s22] =	ssyncadd.s32 s4;
	_ =	sdelay $0x1  }
0xa7: {  	s23 =	simm.s32 $0x1B8B  }
0xa8: {  	_ =	swait.ge [sflag:s23], $0x1  }
0xa9: {  	[sflag:s23] =	ssyncset.done $0x0  }
0xaa: {  	s25 =	simm.s32 $0x1B8E;
	s24 =	sld [smem:$0x3FFE];
	[sflag:s23] =	ssyncadd.s32 $0xFFFFFFFF  }
0xab: {  	s26 =	simm.s32 $execute0_lowered;
	[smem:$0x3FD2] =	sst s25  }
0xac: {  	s5 =	sshll.u32 s26, $0x1;
	_ =	strace $0x8000004C;
	[dreg:$0x1] =	wrdreg $0xFFFFFFFF  }
0xad: {  	s28 =	simm.s32 $_size_execute0_lowered;
	s3 =	sadd.s32 s3, s5;
	[dreg:$0x0] =	wrdreg $0x0  }
0xae: {  	s5 =	sshll.u32 s28, $0x1;
	[dreg:$0x2] =	wrdreg s3  }
0xaf: {  	[dreg:$0x3] =	wrdreg s5  }
0xb0: {  	[dreg:$0x4] =	wrdreg $0xC0  }
0xb1: {  	_ =	task [dreg:s7], $0x5FFFF  }
0xb2: {  	[dreg:$0x1] =	wrdreg $0xFFFFFFFF  }
0xb3: {  	[dreg:$0x0] =	wrdreg $0x60  }
0xb4: {  	[dreg:$0x2] =	wrdreg s24  }
0xb5: {  	[dreg:$0x3] =	wrdreg s16  }
0xb6: {  	[dreg:$0x4] =	wrdreg $0x9  }
0xb7: {  	_ =	task.clear_ibuf [dreg:s7], $0x5FFFF;
	_ =	strace $0x9000004C  }
0xb8: {  	s29 =	simm.s32 $0x9;
	_ =	strace $0x8000004E  }
0xb9: {  	_ =	swait.ge [sflag:s29], $0x1  }
0xba: {  	[sflag:s29] =	ssyncadd.s32 $0xFFFFFFFF  }
0xbb: {  	_ =	strace $0x9000004E  }
0xbc: {  	_ =	sfence  }
0xbd: {  	s30 =	sld [smem:$0x0];
	_ =	sdelay $0x2  }
0xbe: {  	s31 =	sshll.u32 s1, $0xD;
	s1 =	sshrl.u32 s1, $0x2  }
0xbf: {  	s3 =	sand.u32 $0x4000, s31;
	s1 =	sadd.s32 s1, s30  }
0xc0: {  	s0 =	sor.u32 s3, s0;
	s1 =	sshll.u32 s1, $0x11  }
0xc1: {  	s0 =	sor.u32 s1, s0  }
0xc2: {  	s0 =	sadd.s32 $0x8F2B, s0  }
0xc3: {  	[sflag:s0] =	ssyncadd.remote.s32 $0x1  }
0xc4: {  	_ =	sfence.sel $0xFFFF  }
0xc5: {  	[dreg:$0x0] =	wrdreg $0xFFFFFFFF;
	(pc) =	sbr.abs _section_cstart, $3  }
0xc6: {  	[dreg:$0x1] =	wrdreg $0xFFFFFFFF  }
0xc7: {  	_ =	task.clear_ibuf [dreg:s7], $0x2FFFF;
	_ =	strace $0x9FFFFFFF  }
0xc8: {  	(tm) =	ssettm $0x7FFFFFFF  }
0xc9: {  	_ =	shalt  }
tec
execute0_lowered:
.L_overlay_start_1:
0x0: {  	(tag) =	ssettag $0x1  }
0x1: {  	s1 =	srdreg.scid  }
0x2: {  	s0 =	stileid.u32;
	s26 =	sand.u32 $0x1, s1  }
0x3: {  	s15 =	rddreg [dreg:$0x0];
	s31 =	sshll.u32 s0, $0xA;
	s2 =	sshll.u32 s26, $0x9  }
0x4: {  	s5 =	rddreg [dreg:$0x1];
	s13 =	sor.u32 s2, s31  }
0x5: {  	s1 =	rddreg [dreg:$0x2];
	s2 =	simm.s32 $0x0;
	s6 =	sshrl.u32 s13, $0x3  }
0x6: {  	[smem:$0x7FF] =	sst s2;
	s3 =	sadd.s32 s6, s15  }
0x7: {  	_ =	strace $0x8000004D;
	s4 =	sadd.s32 $0x1E86A00, s3;
	s3 =	simm.s32 $0x3  }
0x8: {  	[tilespmem:s2], [sflag:$0x3] =	stream.linear.gather [hbm4b:s4+s2], $0x200, $0x38;
	[tilespmem:$0x8400] =	vst v63  }
0x9: {  	_ =	swait.ge [sflag:s3], $0x200  }
0xa: {  	[sflag:s3] =	ssyncset.done $0x0  }
0xb: {  	s5 =	sadd.s32 s5, s6;
	s6 =	simm.s32 $0x200;
	[sflag:s3] =	ssyncadd.s32 $0xFFFFFE00  }
0xc: {  	[tilespmem:s6], [sflag:$0x3] =	stream.linear.gather [hbm4b:s5+s2], $0x200, $0x38;
	[tilespmem:$0x8400] =	vst v63  }
0xd: {  	_ =	swait.ge [sflag:s3], $0x200  }
0xe: {  	s8 =	simm.s32 $0x80;
	[sflag:s3] =	ssyncset.done $0x0  }
0xf: {  	s9 =	simm.s32 $0x400;
	s7 =	sadd.s32 $0x1E00, s15;
	[sflag:s3] =	ssyncadd.s32 $0xFFFFFE00  }
0x10: {  	[tilespmem:s9], [sflag:$0x1] =	stream.indirect.gather [hbm4b:s7+s8], $0x80, s2, s8, $0xb8;
	[tilespmem:$0x8400] =	vst v63  }
0x11: {  	s11 =	simm.s32 $0x4400;
	s12 =	simm.s32 $0x1;
	s10 =	sadd.s32 $0x3D2800, s15  }
0x12: {  	[tilespmem:s11], [sflag:$0x2] =	stream.indirect.gather [hbm4b:s10+s8], $0x80, s6, s8, $0xb8;
	[tilespmem:$0x8400] =	vst v63  }
0x13: {  	_ =	swait.ge [sflag:s12], $0x4000  }
0x14: {  	s25 =	sadd.s32 $0x7A3200, s15;
	s29 =	sshll.u32 s13, $0x4;
	[sflag:s12] =	ssyncset.done $0x0  }
0x15: {  	s13 =	sadd.s32 s25, s29;
	[sflag:s12] =	ssyncadd.s32 $0xFFFFC000  }
0x16: {  	[hbm4b:s13+s2] =	stream.linear.scatter [tilespmem:s9], [sflag:$0x3], $0x4000, $0x38;
	[tilespmem:$0x8400] =	vst v63  }
0x17: {  	_ =	swait.ge [sflag:s3], $0x4000  }
0x18: {  	[sflag:s3] =	ssyncset.done $0x0  }
0x19: {  	s14 =	simm.s32 $0x2;
	[sflag:s3] =	ssyncadd.s32 $0xFFFFC000  }
0x1a: {  	_ =	swait.ge [sflag:s14], $0x4000  }
0x1b: {  	s28 =	sadd.s32 $0x7E3200, s15;
	[sflag:s14] =	ssyncset.done $0x0  }
0x1c: {  	s15 =	sadd.s32 s28, s29;
	[sflag:s14] =	ssyncadd.s32 $0xFFFFC000  }
0x1d: {  	[hbm4b:s15+s2] =	stream.linear.scatter [tilespmem:s11], [sflag:$0x3], $0x4000, $0x38;
	[tilespmem:$0x8400] =	vst v63  }
0x1e: {  	_ =	swait.ge [sflag:s3], $0x4000  }
0x1f: {  	[sflag:s3] =	ssyncset.done $0x0  }
0x20: {  	[sflag:s3] =	ssyncadd.s32 $0xFFFFC000  }
0x21: {  	[tilespmem:s9], [sflag:$0x1] =	stream.indirect.gather [hbm4b:s7+s8], $0x80, s8, s8, $0xb8;
	[tilespmem:$0x8400] =	vst v63  }
0x22: {  	s16 =	simm.s32 $0x280  }
0x23: {  	[tilespmem:s11], [sflag:$0x2] =	stream.indirect.gather [hbm4b:s10+s8], $0x80, s16, s8, $0xb8;
	[tilespmem:$0x8400] =	vst v63  }
0x24: {  	_ =	swait.ge [sflag:s12], $0x4000  }
0x25: {  	s18 =	sor.u32 $0x800, s29;
	[sflag:s12] =	ssyncset.done $0x0  }
0x26: {  	s17 =	sadd.s32 s25, s18;
	[sflag:s12] =	ssyncadd.s32 $0xFFFFC000  }
0x27: {  	[hbm4b:s17+s2] =	stream.linear.scatter [tilespmem:s9], [sflag:$0x3], $0x4000, $0x38;
	[tilespmem:$0x8400] =	vst v63  }
0x28: {  	_ =	swait.ge [sflag:s3], $0x4000  }
0x29: {  	[sflag:s3] =	ssyncset.done $0x0  }
0x2a: {  	[sflag:s3] =	ssyncadd.s32 $0xFFFFC000  }
0x2b: {  	_ =	swait.ge [sflag:s14], $0x4000  }
0x2c: {  	[sflag:s14] =	ssyncset.done $0x0  }
0x2d: {  	s18 =	sadd.s32 s28, s18;
	[sflag:s14] =	ssyncadd.s32 $0xFFFFC000  }
0x2e: {  	[hbm4b:s18+s2] =	stream.linear.scatter [tilespmem:s11], [sflag:$0x3], $0x4000, $0x38;
	[tilespmem:$0x8400] =	vst v63  }
0x2f: {  	_ =	swait.ge [sflag:s3], $0x4000  }
0x30: {  	[sflag:s3] =	ssyncset.done $0x0  }
0x31: {  	s19 =	simm.s32 $0x100;
	[sflag:s3] =	ssyncadd.s32 $0xFFFFC000  }
0x32: {  	[tilespmem:s9], [sflag:$0x1] =	stream.indirect.gather [hbm4b:s7+s8], $0x80, s19, s8, $0xb8;
	[tilespmem:$0x8400] =	vst v63  }
0x33: {  	s20 =	simm.s32 $0x300  }
0x34: {  	[tilespmem:s11], [sflag:$0x2] =	stream.indirect.gather [hbm4b:s10+s8], $0x80, s20, s8, $0xb8;
	[tilespmem:$0x8400] =	vst v63  }
0x35: {  	_ =	swait.ge [sflag:s12], $0x4000  }
0x36: {  	s22 =	sor.u32 $0x1000, s29;
	[sflag:s12] =	ssyncset.done $0x0  }
0x37: {  	s21 =	sadd.s32 s25, s22;
	[sflag:s12] =	ssyncadd.s32 $0xFFFFC000  }
0x38: {  	[hbm4b:s21+s2] =	stream.linear.scatter [tilespmem:s9], [sflag:$0x3], $0x4000, $0x38;
	[tilespmem:$0x8400] =	vst v63  }
0x39: {  	_ =	swait.ge [sflag:s3], $0x4000  }
0x3a: {  	[sflag:s3] =	ssyncset.done $0x0  }
0x3b: {  	[sflag:s3] =	ssyncadd.s32 $0xFFFFC000  }
0x3c: {  	_ =	swait.ge [sflag:s14], $0x4000  }
0x3d: {  	[sflag:s14] =	ssyncset.done $0x0  }
0x3e: {  	s22 =	sadd.s32 s28, s22;
	[sflag:s14] =	ssyncadd.s32 $0xFFFFC000  }
0x3f: {  	[hbm4b:s22+s2] =	stream.linear.scatter [tilespmem:s11], [sflag:$0x3], $0x4000, $0x38;
	[tilespmem:$0x8400] =	vst v63  }
0x40: {  	_ =	swait.ge [sflag:s3], $0x4000  }
0x41: {  	[sflag:s3] =	ssyncset.done $0x0  }
0x42: {  	s23 =	simm.s32 $0x180;
	[sflag:s3] =	ssyncadd.s32 $0xFFFFC000  }
0x43: {  	[tilespmem:s9], [sflag:$0x1] =	stream.indirect.gather [hbm4b:s7+s8], $0x80, s23, s8, $0xb8;
	[tilespmem:$0x8400] =	vst v63  }
0x44: {  	s24 =	simm.s32 $0x380  }
0x45: {  	[tilespmem:s11], [sflag:$0x2] =	stream.indirect.gather [hbm4b:s10+s8], $0x80, s24, s8, $0xb8;
	[tilespmem:$0x8400] =	vst v63  }
0x46: {  	_ =	swait.ge [sflag:s12], $0x4000  }
0x47: {  	s29 =	sor.u32 $0x1800, s29;
	[sflag:s12] =	ssyncset.done $0x0  }
0x48: {  	s26 =	ssub.s32 $0x2, s26;
	s25 =	sadd.s32 s25, s29;
	[sflag:s12] =	ssyncadd.s32 $0xFFFFC000  }
0x49: {  	[hbm4b:s25+s2] =	stream.linear.scatter [tilespmem:s9], [sflag:$0x3], $0x4000, $0x38;
	[tilespmem:$0x8400] =	vst v63  }
0x4a: {  	s30 =	sshrl.u32 s26, $0x1;
	_ =	swait.ge [sflag:s3], $0x4000  }
0x4b: {  	s30 =	ssub.s32 s26, s30;
	[sflag:s3] =	ssyncset.done $0x0  }
0x4c: {  	s26 =	sadd.s32 s28, s29;
	s28 =	smax.u32 s30, $0x1;
	[sflag:s3] =	ssyncadd.s32 $0xFFFFC000  }
0x4d: {  	p0 =	sne.s32 s28, $0x1;
	_ =	swait.ge [sflag:s14], $0x4000  }
.Ltmp0:
0x4e: {  	[sflag:s14] =	ssyncset.done $0x0;
	(pc) =	sbr.rel @!p0 .LBB2_2-.Ltmp0, $4  }
0x4f: {  	[sflag:s14] =	ssyncadd.s32 $0xFFFFC000  }
0x50: {  	[hbm4b:s26+s2] =	stream.linear.scatter [tilespmem:s11], [sflag:$0x3], $0x4000, $0x38;
	[tilespmem:$0x8400] =	vst v63  }
0x51: {  	_ =	swait.ge [sflag:s3], $0x4000  }
0x52: {  	s28 =	sadd.s32 $0xFFFFFFFF, s28;
	[sflag:s3] =	ssyncset.done $0x0  }
.LBB2_1:
0x53: {  	p0 =	sne.s32 s28, $0x1;
	s28 =	sadd.s32 $0xFFFFFFFF, s28;
	[sflag:s3] =	ssyncadd.s32 $0xFFFFC000  }
0x54: {  	[tilespmem:s2], [sflag:$0x3] =	stream.linear.gather [hbm4b:s4+s2], $0x200, $0x38;
	[tilespmem:$0x8400] =	vst v63  }
0x55: {  	_ =	swait.ge [sflag:s3], $0x200  }
0x56: {  	[sflag:s3] =	ssyncset.done $0x0  }
0x57: {  	[sflag:s3] =	ssyncadd.s32 $0xFFFFFE00  }
0x58: {  	[tilespmem:s6], [sflag:$0x3] =	stream.linear.gather [hbm4b:s5+s2], $0x200, $0x38;
	[tilespmem:$0x8400] =	vst v63  }
0x59: {  	_ =	swait.ge [sflag:s3], $0x200  }
0x5a: {  	[sflag:s3] =	ssyncset.done $0x0  }
0x5b: {  	[sflag:s3] =	ssyncadd.s32 $0xFFFFFE00  }
0x5c: {  	[tilespmem:s9], [sflag:$0x1] =	stream.indirect.gather [hbm4b:s7+s8], $0x80, s2, s8, $0xb8;
	[tilespmem:$0x8400] =	vst v63  }
0x5d: {  	_ = 	snop  }
0x5e: {  	[tilespmem:s11], [sflag:$0x2] =	stream.indirect.gather [hbm4b:s10+s8], $0x80, s6, s8, $0xb8;
	[tilespmem:$0x8400] =	vst v63  }
0x5f: {  	_ =	swait.ge [sflag:s12], $0x4000  }
0x60: {  	[sflag:s12] =	ssyncset.done $0x0  }
0x61: {  	[sflag:s12] =	ssyncadd.s32 $0xFFFFC000  }
0x62: {  	[hbm4b:s13+s2] =	stream.linear.scatter [tilespmem:s9], [sflag:$0x3], $0x4000, $0x38;
	[tilespmem:$0x8400] =	vst v63  }
0x63: {  	_ =	swait.ge [sflag:s3], $0x4000  }
0x64: {  	[sflag:s3] =	ssyncset.done $0x0  }
0x65: {  	[sflag:s3] =	ssyncadd.s32 $0xFFFFC000  }
0x66: {  	_ =	swait.ge [sflag:s14], $0x4000  }
0x67: {  	[sflag:s14] =	ssyncset.done $0x0  }
0x68: {  	[sflag:s14] =	ssyncadd.s32 $0xFFFFC000  }
0x69: {  	[hbm4b:s15+s2] =	stream.linear.scatter [tilespmem:s11], [sflag:$0x3], $0x4000, $0x38;
	[tilespmem:$0x8400] =	vst v63  }
0x6a: {  	_ =	swait.ge [sflag:s3], $0x4000  }
0x6b: {  	[sflag:s3] =	ssyncset.done $0x0  }
0x6c: {  	[sflag:s3] =	ssyncadd.s32 $0xFFFFC000  }
0x6d: {  	[tilespmem:s9], [sflag:$0x1] =	stream.indirect.gather [hbm4b:s7+s8], $0x80, s8, s8, $0xb8;
	[tilespmem:$0x8400] =	vst v63  }
0x6e: {  	_ = 	snop  }
0x6f: {  	[tilespmem:s11], [sflag:$0x2] =	stream.indirect.gather [hbm4b:s10+s8], $0x80, s16, s8, $0xb8;
	[tilespmem:$0x8400] =	vst v63  }
0x70: {  	_ =	swait.ge [sflag:s12], $0x4000  }
0x71: {  	[sflag:s12] =	ssyncset.done $0x0  }
0x72: {  	[sflag:s12] =	ssyncadd.s32 $0xFFFFC000  }
0x73: {  	[hbm4b:s17+s2] =	stream.linear.scatter [tilespmem:s9], [sflag:$0x3], $0x4000, $0x38;
	[tilespmem:$0x8400] =	vst v63  }
0x74: {  	_ =	swait.ge [sflag:s3], $0x4000  }
0x75: {  	[sflag:s3] =	ssyncset.done $0x0  }
0x76: {  	[sflag:s3] =	ssyncadd.s32 $0xFFFFC000  }
0x77: {  	_ =	swait.ge [sflag:s14], $0x4000  }
0x78: {  	[sflag:s14] =	ssyncset.done $0x0  }
0x79: {  	[sflag:s14] =	ssyncadd.s32 $0xFFFFC000  }
0x7a: {  	[hbm4b:s18+s2] =	stream.linear.scatter [tilespmem:s11], [sflag:$0x3], $0x4000, $0x38;
	[tilespmem:$0x8400] =	vst v63  }
0x7b: {  	_ =	swait.ge [sflag:s3], $0x4000  }
0x7c: {  	[sflag:s3] =	ssyncset.done $0x0  }
0x7d: {  	[sflag:s3] =	ssyncadd.s32 $0xFFFFC000  }
0x7e: {  	[tilespmem:s9], [sflag:$0x1] =	stream.indirect.gather [hbm4b:s7+s8], $0x80, s19, s8, $0xb8;
	[tilespmem:$0x8400] =	vst v63  }
0x7f: {  	_ = 	snop  }
0x80: {  	[tilespmem:s11], [sflag:$0x2] =	stream.indirect.gather [hbm4b:s10+s8], $0x80, s20, s8, $0xb8;
	[tilespmem:$0x8400] =	vst v63  }
0x81: {  	_ =	swait.ge [sflag:s12], $0x4000  }
0x82: {  	[sflag:s12] =	ssyncset.done $0x0  }
0x83: {  	[sflag:s12] =	ssyncadd.s32 $0xFFFFC000  }
0x84: {  	[hbm4b:s21+s2] =	stream.linear.scatter [tilespmem:s9], [sflag:$0x3], $0x4000, $0x38;
	[tilespmem:$0x8400] =	vst v63  }
0x85: {  	_ =	swait.ge [sflag:s3], $0x4000  }
0x86: {  	[sflag:s3] =	ssyncset.done $0x0  }
0x87: {  	[sflag:s3] =	ssyncadd.s32 $0xFFFFC000  }
0x88: {  	_ =	swait.ge [sflag:s14], $0x4000  }
0x89: {  	[sflag:s14] =	ssyncset.done $0x0  }
0x8a: {  	[sflag:s14] =	ssyncadd.s32 $0xFFFFC000  }
0x8b: {  	[hbm4b:s22+s2] =	stream.linear.scatter [tilespmem:s11], [sflag:$0x3], $0x4000, $0x38;
	[tilespmem:$0x8400] =	vst v63  }
0x8c: {  	_ =	swait.ge [sflag:s3], $0x4000  }
0x8d: {  	[sflag:s3] =	ssyncset.done $0x0  }
0x8e: {  	[sflag:s3] =	ssyncadd.s32 $0xFFFFC000  }
0x8f: {  	[tilespmem:s9], [sflag:$0x1] =	stream.indirect.gather [hbm4b:s7+s8], $0x80, s23, s8, $0xb8;
	[tilespmem:$0x8400] =	vst v63  }
0x90: {  	_ = 	snop  }
0x91: {  	[tilespmem:s11], [sflag:$0x2] =	stream.indirect.gather [hbm4b:s10+s8], $0x80, s24, s8, $0xb8;
	[tilespmem:$0x8400] =	vst v63  }
0x92: {  	_ =	swait.ge [sflag:s12], $0x4000  }
0x93: {  	[sflag:s12] =	ssyncset.done $0x0  }
0x94: {  	[sflag:s12] =	ssyncadd.s32 $0xFFFFC000  }
0x95: {  	[hbm4b:s25+s2] =	stream.linear.scatter [tilespmem:s9], [sflag:$0x3], $0x4000, $0x38;
	[tilespmem:$0x8400] =	vst v63  }
0x96: {  	_ =	swait.ge [sflag:s3], $0x4000  }
0x97: {  	[sflag:s3] =	ssyncset.done $0x0  }
0x98: {  	[sflag:s3] =	ssyncadd.s32 $0xFFFFC000  }
0x99: {  	_ =	swait.ge [sflag:s14], $0x4000  }
.Ltmp1:
0x9a: {  	[sflag:s14] =	ssyncset.done $0x0;
	(pc) =	sbr.rel @p0 .LBB2_1-.Ltmp1, $4  }
0x9b: {  	[sflag:s14] =	ssyncadd.s32 $0xFFFFC000  }
0x9c: {  	[hbm4b:s26+s2] =	stream.linear.scatter [tilespmem:s11], [sflag:$0x3], $0x4000, $0x38;
	[tilespmem:$0x8400] =	vst v63  }
0x9d: {  	_ =	swait.ge [sflag:s3], $0x4000  }
0x9e: {  	[sflag:s3] =	ssyncset.done $0x0  }
.LBB2_2:
0x9f: {  	[sflag:s3] =	ssyncadd.s32 $0xFFFFC000  }
0xa0: {  	_ =	sfence.sel $0x180000  }
0xa1: {  	[bflag:$0x0] =	sbarrier.arrive $0xFFFF  }
0xa2: {  	p0 =	sne.s32 s0, $0x0;
	_ =	strace $0x9000004D  }
0xa3: {  	s0 =	sadd.s32 @!p0 $0x100000, s1;
	[bflag:$0x2] =	sbarrier.arrive $0xFFFF  }
0xa4: {  	[sflag:s0] =	ssyncadd.tile.s32 @!p0 $0x1;
	_ =	shalt  }
.Lfunc_end2:
_tile_overlayer_lowered:
.L_overlay_start_2:
0xa5: {  	(tag) =	ssettag $0x2  }
0xa6: {  	s0 =	rddreg [dreg:$0x0];
	s2 =	stileid.u32  }
0xa7: {  	s1 =	rddreg [dreg:$0x1];
	p0 =	sne.s32 s2, $0x0  }
0xa8: {  	s3 =	rddreg [dreg:$0x2];
	[bflag:$0x3] =	sbarrier.arrive $0xFFFF;
	s2 =	simm.s32 @!p0 $0x1C03  }
0xa9: {  	[timem:s3], [sflag:s2] =	dma.local @!p0 [hbm:s0], s1  }
0xaa: {  	s0 =	simm.s32 @!p0 $0x3  }
0xab: {  	_ =	swait.ge @!p0 [sflag:s0], s1  }
0xac: {  	s1 =	ssub.s32 @!p0 $0x0, s1;
	[sflag:s0] =	ssyncset.done @!p0 $0x0  }
0xad: {  	[sflag:s0] =	ssyncadd.s32 @!p0 s1  }
0xae: {  	[bflag:$0x3] =	sbarrier.arrive $0xFFFF  }
0xaf: {  	_ =	shalt  }

// kernel: sparse-core-data-format-call.1.cloned.1.call-start
scs
called_computation.1_lowered:
.L_overlay_start_0:
0x0: {  	s2 =	sld [smem:$0x3FD9]  }
0x1: {  	s3 =	sld [smem:$0x3FFE];
	_ =	sdelay $0x1  }
0x2: {  	s1 =	srdreg.scid  }
0x3: {  	s0 =	sand.u32 $0x1, s1  }
0x4: {  	s18 =	sshll.u32 s0, $0xA;
	s2 =	sadd.s32 s3, s2  }
0x5: {  	s2 =	sadd.s32 s2, s18  }
0x6: {  	[smem:$0x3FC4] =	sst s2  }
0x7: {  	_ = 	snop  }
0x8: {  	s2 =	sld [smem:$0x3FC7];
	(tm) =	ssettm $0x1  }
0x9: {  	s19 =	sld [smem:$0x3FFB];
	_ =	sdelay $0x3  }
0xa: {  	_ =	strace s19  }
0xb: {  	s3 =	sld [smem:$0x3FFC];
	_ =	sdelay $0x3  }
0xc: {  	_ =	strace s3  }
0xd: {  	s3 =	sld [smem:$0x3FFD];
	_ =	sdelay $0x3  }
0xe: {  	_ =	strace s3  }
0xf: {  	_ =	strace $0x8FFFFFFF  }
0x10: {  	s20 =	sld [smem:$0x3FDB];
	_ =	sdelay $0x1  }
0x11: {  	s4 =	simm.s32 $_scs_section_size  }
0x12: {  	s5 =	simm.s32 $_size__tile_overlayer_lowered;
	s6 =	simm.s32 $_tile_overlayer_lowered  }
0x13: {  	s23 =	simm.s32 $0x1BFF;
	s22 =	sshll.u32 s6, $0x1;
	s3 =	sadd.s32 s4, s20  }
0x14: {  	s7 =	simm.s32 $0x0;
	s21 =	sshll.u32 s5, $0x1;
	s5 =	sadd.s32 s22, s3  }
0x15: {  	[timem:s7], [sflag:s23] =	dma.local [hbm:s5], s21  }
0x16: {  	_ =	swait.ge [sflag:s23], s21  }
0x17: {  	s4 =	ssub.s32 $0x0, s21;
	[sflag:s23] =	ssyncset.done $0x0  }
0x18: {  	[sflag:s23] =	ssyncadd.s32 s4;
	_ =	sdelay $0x1  }
0x19: {  	s24 =	simm.s32 $0x1B8B  }
0x1a: {  	_ =	swait.ge [sflag:s24], $0x1  }
0x1b: {  	[sflag:s24] =	ssyncset.done $0x0  }
0x1c: {  	s26 =	simm.s32 $0x1B8E;
	s25 =	sld [smem:$0x3FFE];
	[sflag:s24] =	ssyncadd.s32 $0xFFFFFFFF  }
0x1d: {  	s27 =	simm.s32 $execute0_lowered;
	[smem:$0x3FD2] =	sst s26  }
0x1e: {  	s5 =	sshll.u32 s27, $0x1;
	_ =	strace $0x80000046;
	[dreg:$0x1] =	wrdreg $0xFFFFFFFF  }
0x1f: {  	s28 =	simm.s32 $_size_execute0_lowered;
	s3 =	sadd.s32 s3, s5;
	[dreg:$0x0] =	wrdreg $0x0  }
0x20: {  	s5 =	sshll.u32 s28, $0x1;
	[dreg:$0x2] =	wrdreg s3  }
0x21: {  	[dreg:$0x3] =	wrdreg s5  }
0x22: {  	[dreg:$0x4] =	wrdreg $0xC0  }
0x23: {  	_ =	task [dreg:s7], $0x5FFFF  }
0x24: {  	[dreg:$0x1] =	wrdreg $0xFFFFFFFF  }
0x25: {  	[dreg:$0x0] =	wrdreg $0x60  }
0x26: {  	[dreg:$0x2] =	wrdreg s2  }
0x27: {  	[dreg:$0x3] =	wrdreg s25  }
0x28: {  	[dreg:$0x4] =	wrdreg $0xA  }
0x29: {  	_ =	task.clear_ibuf [dreg:s7], $0x5FFFF;
	_ =	strace $0x90000046  }
0x2a: {  	s29 =	simm.s32 $0xA;
	_ =	strace $0x80000048  }
0x2b: {  	_ =	swait.ge [sflag:s29], $0x1  }
0x2c: {  	[sflag:s29] =	ssyncadd.s32 $0xFFFFFFFF  }
0x2d: {  	_ =	strace $0x90000048  }
0x2e: {  	_ =	sfence  }
0x2f: {  	s30 =	sld [smem:$0x0];
	_ =	sdelay $0x2  }
0x30: {  	s31 =	sshll.u32 s1, $0xD;
	s1 =	sshrl.u32 s1, $0x2  }
0x31: {  	s3 =	sand.u32 $0x4000, s31;
	s1 =	sadd.s32 s1, s30  }
0x32: {  	s0 =	sor.u32 s3, s0;
	s1 =	sshll.u32 s1, $0x11  }
0x33: {  	s0 =	sor.u32 s1, s0  }
0x34: {  	s0 =	sadd.s32 $0x8F2B, s0  }
0x35: {  	[sflag:s0] =	ssyncadd.remote.s32 $0x1  }
0x36: {  	_ =	sfence.sel $0xFFFF  }
0x37: {  	[dreg:$0x0] =	wrdreg $0xFFFFFFFF;
	(pc) =	sbr.abs _section_cstart, $3  }
0x38: {  	[dreg:$0x1] =	wrdreg $0xFFFFFFFF  }
0x39: {  	_ =	task.clear_ibuf [dreg:s7], $0x2FFFF;
	_ =	strace $0x9FFFFFFF  }
0x3a: {  	(tm) =	ssettm $0x7FFFFFFF  }
0x3b: {  	_ =	shalt  }
tec
execute0_lowered:
.L_overlay_start_1:
0x0: {  	(tag) =	ssettag $0x1  }
0x1: {  	s0 =	srdreg.scid;
	s2 =	rddreg [dreg:$0x0]  }
0x2: {  	s5 =	rddreg [dreg:$0x1];
	s1 =	stileid.u32  }
0x3: {  	s4 =	simm.s32 $0x1;
	s6 =	simm.s32 $0x2;
	s15 =	simm.s32 $0x0  }
0x4: {  	p0 =	por $0x0, $0x0;
	s8 =	simm.s32 $0x80;
	s0 =	sshll.u32 s0, $0x4  }
0x5: {  	s14 =	simm.s32 $0x0;
	s9 =	simm.s32 $0x0;
	s3 =	sand.u32 $0x10, s0  }
.Ltmp0:
0x6: {  	s10 =	simm.s32 $0x0;
	s3 =	sor.u32 s1, s3;
	(pc) =	sbr.rel .LBB1_1-.Ltmp0, $4  }
0x7: {  	s0 =	rddreg [dreg:$0x2];
	_ =	strace $0x80000047;
	s3 =	sshll.u32 s3, $0x7  }
0x8: {  	s12 =	simm.s32 $0x0;
	[sflag:s4] =	ssyncpa.u1 $0x0;
	s7 =	ssub.s32 $0xF4200, s3  }
0x9: {  	s13 =	simm.s32 $0x0;
	[sflag:s6] =	ssyncpa.u1 $0x0;
	s6 =	sshrl.u32 s7, $0xC  }
0xa: {  	s5 =	sadd.s32 $0x1E00, s5;
	s11 =	smov.u32 s3;
	s7 =	sadd.s32 $0x2, s6  }
.LBB1_5:
0xb: {  	p1 =	slt.u32 s13, $0x2  }
0xc: {  	s17 =	smov.u32 s15;
	p2 =	sgt.s32 @!p1 s15, $0xF41C8;
	s16 =	sshra.s32 @!p1 s15, $0x1F  }
0xd: {  	p3 =	sgt.s32 @!p1 s14, $0x60;
	s18 =	sshra.s32 @!p1 s14, $0x1F;
	p2 =	por !p2, p1  }
0xe: {  	s15 =	sand.u32 @!p1 s16, s15;
	p3 =	por !p3, p1;
	s16 =	smov.u32 s14  }
0xf: {  	s14 =	sand.u32 @!p1 s18, s14;
	s17 =	simm.s32 @p2 $0xF41C8;
	s16 =	simm.s32 @p3 $0x60  }
0x10: {  	s15 =	ssub.s32 @!p1 s17, s15;
	s14 =	ssub.s32 @!p1 s16, s14  }
0x11: {  	s18 =	smov.u32 s12;
	s16 =	sadd.s32 @!p1 $0xFFF0BE38, s15;
	s17 =	sadd.s32 @!p1 $0xFFFFFFA0, s14  }
0x12: {  	s15 =	ssub.s32 @!p1 $0xF4248, s15;
	p2 =	sgt.s32 @!p1 s16, $0x7F;
	p3 =	sgt.s32 @!p1 s17, $0x1F  }
0x13: {  	s14 =	ssub.s32 @!p1 $0x80, s14;
	p2 =	por !p2, p1;
	p3 =	por !p3, p1  }
0x14: {  	s16 =	sadd.s32 $0x1000, s11;
	s15 =	simm.s32 @!p2 $0x0;
	s14 =	simm.s32 @!p3 $0x0  }
0x15: {  	p2 =	sgt.s32 s16, $0xF4240;
	s14 =	smul.u32 @!p1 s14, s15;
	s15 =	sadd.s32 $0x20, s12  }
0x16: {  	s18 =	smov.u32 @p2 s15  }
0x17: {  	s16 =	smov.u32 @p2 s3;
	p2 =	sgt.s32 s18, $0x1F  }
0x18: {  	s18 =	simm.s32 @p2 $0x0;
	p2 =	sne.s32 s13, s7  }
.Ltmp1:
0x19: {  	p0 =	por !p0, !p0;
	s17 =	simm.s32 @!p1 $0x2;
	(pc) =	sbr.rel @!p2 .LBB1_6-.Ltmp1, $4  }
0x1a: {  	s15 =	smov.u32 s9;
	s9 =	smov.u32 s11;
	s14 =	sand.u32 @!p1 $0x3FFFFFFF, s14  }
0x1b: {  	s11 =	smov.u32 s16;
	_ =	swait.ge @!p1 [sflag:s17], s14;
	s19 =	ssub.s32 @!p1 $0x0, s14  }
0x1c: {  	s14 =	smov.u32 s10;
	s13 =	sadd.s32 $0x1, s13;
	[sflag:s17] =	ssyncset.done @!p1 $0x0  }
0x1d: {  	s10 =	smov.u32 s12;
	s12 =	smov.u32 s18;
	[sflag:s17] =	ssyncadd.s32 @!p1 s19  }
.LBB1_1:
0x1e: {  	p1 =	sgt.u32 s13, s6  }
0x1f: {  	s16 =	sshrl.u32 @!p1 s12, $0x3  }
0x20: {  	s17 =	sshll.u32 @!p1 s11, $0x3;
	s16 =	smul.u32 @!p1 $0x7A1400, s16  }
0x21: {  	s18 =	sshll.u32 @!p1 s12, $0x7;
	s17 =	sand.u32 @!p1 $0xFFFFFC00, s17  }
0x22: {  	s16 =	sadd.s32 @!p1 s16, s17;
	s17 =	sand.u32 @!p1 $0x380, s18  }
0x23: {  	s18 =	sand.u32 @!p1 $0x7F, s11;
	s16 =	sor.u32 @!p1 s17, s16  }
0x24: {  	s17 =	sor.u32 @!p1 s18, s16  }
0x25: {  	s18 =	smulhi.u32 @!p1 $0x218D6287, s17;
	_ =	sdelay $0x1  }
0x26: {  	s16 =	smulhi.u32 @!p1 $0x218D6287, s16;
	s18 =	sshrl.u32 @!p1 s18, $0x11  }
0x27: {  	s18 =	smul.u32 @!p1 $0xF4280, s18  }
0x28: {  	s19 =	sxor.u32 @!p1 $0xFFFFFFFF, s13;
	s16 =	sshrl.u32 @!p1 s16, $0x11  }
0x29: {  	s19 =	sshll.u32 @!p1 s19, $0xC;
	s16 =	sand.u32 @!p1 $0x1F, s16;
	s17 =	ssub.s32 @!p1 s17, s18  }
0x2a: {  	s16 =	smul.u32 @!p1 $0x1E850, s16;
	s18 =	sshrl.u32 @!p1 s17, $0x3;
	s17 =	sand.u32 @!p1 $0x7, s17  }
0x2b: {  	s19 =	sand.u32 @!p1 $0x1000, s19;
	s18 =	sadd.s32 @!p1 s2, s18;
	s17 =	sshll.u32 @!p1 s17, $0x12  }
0x2c: {  	s16 =	sadd.s32 @!p1 s16, s18;
	s17 =	sor.u32 @!p1 $0x400, s17;
	s18 =	simm.s32 @!p1 $0x7A1400  }
0x2d: {  	[tilespmem:s19], [sflag:$0x1] =	stream.strided.gather @!p1 [hbm4b:s16+s17], $0x1000, s18, s17, $0x38;
	[tilespmem:$0x4100] =	vst v63  }
0x2e: {  	p1 =	seq.s32 s13, $0x0  }
0x2f: {  	p2 =	sge.u32 @!p1 s13, s7  }
0x30: {  	p1 =	por p1, p2  }
.Ltmp2:
0x31: {  	_ = 	snop;
	(pc) =	sbr.rel @p1 .LBB1_5-.Ltmp2, $1  }
0x32: {  	_ =	sdelay $0x3  }
0x33: {  	s16 =	simm.s32 $0x1  }
0x34: {  	_ =	swait.ge [sflag:s4], $0x1000;
	s16 =	simm.s32 @!p0 $0x0  }
0x35: {  	[sflag:s4] =	ssyncset.done $0x0;
	s17 =	sshll.u32 s16, $0xC  }
0x36: {  	[sflag:s4] =	ssyncadd.s32 $0xFFFFF000;
	s17 =	sor.u32 $0x40, s17  }
0x37: {  	s16 =	smul.u32 $0x4200, s16;
	v0 =	vld [tilespmem:s17+$0x30]  }
0x38: {  	v1 =	vld [tilespmem:s17+$0xFFFFFFD0]  }
0x39: {  	s16 =	sshrl.u32 s16, $0x2;
	v5 =	vld [tilespmem:s17+$0xFFFFFFE0]  }
0x3a: {  	v6 =	vld [tilespmem:s17+$0xFFFFFFF0];
	s19 =	sor.u32 $0x2000, s16  }
0x3b: {  	s31 =	sand.u32 $0x1, s13;
	v4 =	vld [tilespmem:s17+$0x0];
	s18 =	sadd.s32 $0x0, s19  }
0x3c: {  	v3 =	vld [tilespmem:s17+$0x10];
	s16 =	smul.u32 $0x4200, s31;
	[tilespmem:s18+$0xE70 ss:$0x21] =	vst.msk $0xffff, v0  }
0x3d: {  	v2 =	vld [tilespmem:s17+$0x20];
	[tilespmem:s18+$0x210 ss:$0x21] =	vst.msk $0xffff, v1  }
0x3e: {  	s16 =	sshrl.u32 s16, $0x2;
	v1 =	vld [tilespmem:s17+$0xFFFFFFC0];
	[tilespmem:s18+$0x420 ss:$0x21] =	vst.msk $0xffff, v5;
	s17 =	sadd.s32 $0x80, s17  }
0x3f: {  	s20 =	simm.s32 $0x4;
	s21 =	simm.s32 $0x8;
	s16 =	sor.u32 $0x2000, s16;
	[tilespmem:s18+$0x630 ss:$0x21] =	vst.msk $0xffff, v6;
	v0 =	vld [tilespmem:s17+$0x30]  }
.LBB1_3:
0x40: {  	p1 =	sne.s32 s21, $0x7C;
	v5 =	vld [tilespmem:s17+$0xFFFFFFD0];
	[tilespmem:s18+$0x840 ss:$0x21] =	vst.msk $0xffff, v4  }
0x41: {  	v6 =	vld [tilespmem:s17+$0xFFFFFFE0];
	[tilespmem:s18+$0xA50 ss:$0x21] =	vst.msk $0xffff, v3  }
0x42: {  	s22 =	sshra.s32 s20, $0x2;
	s20 =	smov.u32 s21;
	v7 =	vld [tilespmem:s17+$0xFFFFFFF0];
	[tilespmem:s18+$0xC60 ss:$0x21] =	vst.msk $0xffff, v2  }
.Ltmp3:
0x43: {  	v4 =	vld [tilespmem:s17+$0x0];
	[tilespmem:s18+$0x0 ss:$0x21] =	vst.msk $0xffff, v1;
	s18 =	sadd.s32 s22, s19;
	(pc) =	sbr.rel @p1 .LBB1_3-.Ltmp3, $4  }
0x44: {  	v3 =	vld [tilespmem:s17+$0x10];
	[tilespmem:s18+$0xE70 ss:$0x21] =	vst.msk $0xffff, v0  }
0x45: {  	[tilespmem:s18+$0x210 ss:$0x21] =	vst.msk $0xffff, v5;
	v2 =	vld [tilespmem:s17+$0x20]  }
0x46: {  	v1 =	vld [tilespmem:s17+$0xFFFFFFC0];
	[tilespmem:s18+$0x420 ss:$0x21] =	vst.msk $0xffff, v6;
	s17 =	sadd.s32 $0x80, s17  }
0x47: {  	s21 =	sadd.s32 $0x4, s21;
	v0 =	vld [tilespmem:s17+$0x30];
	[tilespmem:s18+$0x630 ss:$0x21] =	vst.msk $0xffff, v7  }
0x48: {  	s21 =	sshll.u32 s9, $0x7;
	s22 =	sshll.u32 s10, $0x3;
	s20 =	sshra.s32 s20, $0x2  }
0x49: {  	p1 =	sgt.s32 s9, $0xF41C8;
	s30 =	sshra.s32 s9, $0x1F;
	s25 =	sshra.s32 s10, $0x1F  }
0x4a: {  	v5 =	vld [tilespmem:s17+$0xFFFFFFD0];
	s28 =	sshrl.u32 s10, $0x3;
	s23 =	sand.u32 $0xFFFFFC00, s21;
	s22 =	sand.u32 $0xFFFFFC00, s22  }
0x4b: {  	[tilespmem:s18+$0x840 ss:$0x21] =	vst.msk $0xffff, v4;
	v58 =	vld [tilespmem:s17+$0xFFFFFFE0];
	s21 =	sand.u32 $0x380, s21;
	s19 =	sadd.s32 s20, s19;
	s22 =	sadd.s32 s22, s23  }
0x4c: {  	v59 =	vld [tilespmem:s17+$0xFFFFFFF0];
	[tilespmem:s18+$0xA50 ss:$0x21] =	vst.msk $0xffff, v3;
	s29 =	sor.u32 s21, s22;
	s21 =	smov.u32 s9;
	s22 =	sand.u32 s30, s9  }
0x4d: {  	v60 =	vld [tilespmem:s17+$0x0];
	[tilespmem:s18+$0xC60 ss:$0x21] =	vst.msk $0xffff, v2;
	s30 =	sand.u32 $0x7, s10;
	s20 =	sshrl.u32 s29, $0x7;
	s21 =	simm.s32 @!p1 $0xF41C8  }
0x4e: {  	v61 =	vld [tilespmem:s17+$0x10];
	[tilespmem:s18+$0x0 ss:$0x21] =	vst.msk $0xffff, v1;
	p1 =	sgt.s32 s10, $0x60;
	s24 =	ssub.s32 s21, s22;
	s21 =	smov.u32 s10  }
0x4f: {  	v62 =	vld [tilespmem:s17+$0x20];
	[tilespmem:s19+$0xE70 ss:$0x21] =	vst.msk $0xffff, v0;
	s31 =	smulhi.u32 $0x218DDDB, s20;
	s22 =	sand.u32 s25, s10;
	s21 =	simm.s32 @!p1 $0x60  }
0x50: {  	v63 =	vld [tilespmem:s17+$0xFFFFFFC0];
	[tilespmem:s19+$0x210 ss:$0x21] =	vst.msk $0xffff, v5;
	s26 =	sadd.s32 $0xFFF0BE38, s24;
	s17 =	ssub.s32 $0xF4248, s24;
	s21 =	ssub.s32 s21, s22  }
0x51: {  	[tilespmem:s19+$0x420 ss:$0x21] =	vst.msk $0xffff, v58;
	s23 =	sshrl.u32 s31, $0xD;
	p1 =	sgt.s32 s26, $0x7F;
	s27 =	sadd.s32 $0xFFFFFFA0, s21  }
0x52: {  	[tilespmem:s19+$0x630 ss:$0x21] =	vst.msk $0xffff, v59;
	s23 =	smul.u32 $0xF4248, s23;
	s18 =	ssub.s32 $0x80, s21;
	p2 =	sgt.s32 s27, $0x1F  }
.Ltmp4:
0x53: {  	[tilespmem:s19+$0x840 ss:$0x21] =	vst.msk $0xffff, v60;
	s17 =	simm.s32 @p1 $0x0;
	s18 =	simm.s32 @p2 $0x0;
	(pc) =	sbr.rel .LBB1_5-.Ltmp4, $4  }
0x54: {  	s29 =	sand.u32 $0xF, s28;
	[tilespmem:s19+$0xA50 ss:$0x21] =	vst.msk $0xffff, v61;
	s20 =	ssub.s32 s20, s23;
	s17 =	smul.u32 s18, s17  }
0x55: {  	[tilespmem:s19+$0xC60 ss:$0x21] =	vst.msk $0xffff, v62;
	s21 =	sshll.u32 s30, $0x12;
	s20 =	sshll.u32 s20, $0x4;
	s18 =	sadd.s32 s5, s29  }
0x56: {  	[tilespmem:s19+$0x0 ss:$0x21] =	vst.msk $0xffff, v63;
	s31 =	sor.u32 $0x20, s21;
	s18 =	sadd.s32 s20, s18;
	s17 =	sand.u32 $0x3FFFFFFF, s17  }
0x57: {  	[hbm4b:s18+s31] =	stream.strided.scatter [tilespmem:s16], [sflag:$0x2], s17, s8, s31, $0x10;
	[tilespmem:$0x4100] =	vst v63  }
.LBB1_6:
0x58: {  	_ =	sfence.sel $0x180000  }
0x59: {  	s2 =	simm.s32 $0x1;
	[bflag:$0x0] =	sbarrier.arrive $0xFFFF  }
0x5a: {  	s31 =	simm.s32 $0x2;
	[sflag:s2] =	ssyncpa.u1 $0x1  }
0x5b: {  	[sflag:s31] =	ssyncpa.u1 $0x1  }
0x5c: {  	p0 =	sne.s32 s1, $0x0;
	_ =	strace $0x90000047  }
0x5d: {  	s0 =	sadd.s32 @!p0 $0x100000, s0;
	[bflag:$0x2] =	sbarrier.arrive $0xFFFF  }
0x5e: {  	[sflag:s0] =	ssyncadd.tile.s32 @!p0 $0x1;
	_ =	shalt  }
.Lfunc_end1:
_tile_overlayer_lowered:
.L_overlay_start_2:
0x5f: {  	(tag) =	ssettag $0x2  }
0x60: {  	s0 =	rddreg [dreg:$0x0];
	s2 =	stileid.u32  }
0x61: {  	s1 =	rddreg [dreg:$0x1];
	p0 =	sne.s32 s2, $0x0  }
0x62: {  	s3 =	rddreg [dreg:$0x2];
	[bflag:$0x3] =	sbarrier.arrive $0xFFFF;
	s2 =	simm.s32 @!p0 $0x1C01  }
0x63: {  	[timem:s3], [sflag:s2] =	dma.local @!p0 [hbm:s0], s1  }
0x64: {  	s0 =	simm.s32 @!p0 $0x1  }
0x65: {  	_ =	swait.ge @!p0 [sflag:s0], s1  }
0x66: {  	s1 =	ssub.s32 @!p0 $0x0, s1;
	[sflag:s0] =	ssyncset.done @!p0 $0x0  }
0x67: {  	[sflag:s0] =	ssyncadd.s32 @!p0 s1  }
0x68: {  	[bflag:$0x3] =	sbarrier.arrive $0xFFFF  }
0x69: {  	_ =	shalt  }

// kernel: sparse-core-data-format-call.cloned.1.call-start
scs
called_computation_lowered:
.L_overlay_start_0:
0x0: {  	s2 =	sld [smem:$0x3FD9]  }
0x1: {  	s3 =	sld [smem:$0x3FFE];
	_ =	sdelay $0x1  }
0x2: {  	s1 =	srdreg.scid  }
0x3: {  	s0 =	sand.u32 $0x1, s1  }
0x4: {  	s18 =	sshll.u32 s0, $0xA;
	s2 =	sadd.s32 s3, s2  }
0x5: {  	s2 =	sadd.s32 s2, s18  }
0x6: {  	[smem:$0x3FC4] =	sst s2  }
0x7: {  	_ = 	snop  }
0x8: {  	s19 =	sld [smem:$0x3FC6];
	(tm) =	ssettm $0x1  }
0x9: {  	s20 =	sld [smem:$0x3FFB];
	_ =	sdelay $0x3  }
0xa: {  	_ =	strace s20  }
0xb: {  	s2 =	sld [smem:$0x3FFC];
	_ =	sdelay $0x3  }
0xc: {  	_ =	strace s2  }
0xd: {  	s2 =	sld [smem:$0x3FFD];
	_ =	sdelay $0x3  }
0xe: {  	_ =	strace s2  }
0xf: {  	_ =	strace $0x8FFFFFFF  }
0x10: {  	s21 =	sld [smem:$0x3FDB];
	_ =	sdelay $0x1  }
0x11: {  	s4 =	simm.s32 $_scs_section_size  }
0x12: {  	s5 =	simm.s32 $_size__tile_overlayer_lowered;
	s6 =	simm.s32 $_tile_overlayer_lowered  }
0x13: {  	s7 =	simm.s32 $0x1BFF;
	s22 =	sshll.u32 s6, $0x1;
	s4 =	sadd.s32 s4, s21  }
0x14: {  	s23 =	simm.s32 $0x0;
	s5 =	sshll.u32 s5, $0x1;
	s6 =	sadd.s32 s22, s4  }
0x15: {  	[timem:s23], [sflag:s7] =	dma.local [hbm:s6], s5  }
0x16: {  	_ =	swait.ge [sflag:s7], s5  }
0x17: {  	s5 =	ssub.s32 $0x0, s5;
	[sflag:s7] =	ssyncset.done $0x0  }
0x18: {  	[sflag:s7] =	ssyncadd.s32 s5;
	_ =	sdelay $0x1  }
0x19: {  	s24 =	simm.s32 $0x1B8B  }
0x1a: {  	_ =	swait.ge [sflag:s24], $0x1  }
0x1b: {  	[sflag:s24] =	ssyncset.done $0x0  }
0x1c: {  	[sflag:s24] =	ssyncadd.s32 $0xFFFFFFFF  }
0x1d: {  	s5 =	sld [smem:$0x0]  }
0x1e: {  	s6 =	sand.u32 $0xFFFFFFFE, s1  }
0x1f: {  	p0 =	sne.s32 s1, s6  }
0x20: {  	s6 =	sshll.u32 @p0 s6, $0xE  }
0x21: {  	s6 =	sadd.s32 @p0 $0x11B8D, s6;
	s7 =	sshll.u32 @p0 s5, $0x11  }
0x22: {  	s6 =	sor.u32 @p0 s7, s6  }
0x23: {  	[sflag:s6] =	ssyncadd.remote.s32 @p0 $0x1;
	_ =	sdelay $0x1  }
0x24: {  	s6 =	simm.s32 @p0 $0x1B8D  }
0x25: {  	_ =	swait.eq @p0 [sflag:s6], $0x1  }
0x26: {  	[sflag:s6] =	ssyncadd.s32 @p0 $0xFFFFFFFF  }
0x27: {  	s7 =	sshll.u32 @!p0 s1, $0xE  }
0x28: {  	s7 =	sor.u32 @!p0 $0x4000, s7;
	s6 =	simm.s32 @!p0 $0x1B8D  }
0x29: {  	s5 =	sshll.u32 @!p0 s5, $0x11;
	s7 =	sadd.s32 @!p0 $0x11B8D, s7;
	_ =	swait.eq @!p0 [sflag:s6], $0x1  }
0x2a: {  	s5 =	sor.u32 @!p0 s5, s7;
	[sflag:s6] =	ssyncadd.s32 @!p0 $0xFFFFFFFF  }
0x2b: {  	s26 =	simm.s32 $0x1B8E;
	s25 =	sld [smem:$0x3FFE];
	[sflag:s5] =	ssyncadd.remote.s32 @!p0 $0x1  }
0x2c: {  	s27 =	simm.s32 $execute0_lowered;
	[smem:$0x3FD2] =	sst s26  }
0x2d: {  	s6 =	sshll.u32 s27, $0x1;
	_ =	strace $0x80000049;
	[dreg:$0x1] =	wrdreg $0xFFFFFFFF  }
0x2e: {  	s28 =	simm.s32 $_size_execute0_lowered;
	s4 =	sadd.s32 s4, s6;
	[dreg:$0x0] =	wrdreg $0x0  }
0x2f: {  	s6 =	sshll.u32 s28, $0x1;
	[dreg:$0x2] =	wrdreg s4  }
0x30: {  	[dreg:$0x3] =	wrdreg s6  }
0x31: {  	[dreg:$0x4] =	wrdreg $0xC0  }
0x32: {  	_ =	task [dreg:s23], $0x5FFFF  }
0x33: {  	[dreg:$0x1] =	wrdreg $0xFFFFFFFF  }
0x34: {  	[dreg:$0x0] =	wrdreg $0x60  }
0x35: {  	[dreg:$0x2] =	wrdreg s19  }
0x36: {  	[dreg:$0x3] =	wrdreg s25  }
0x37: {  	[dreg:$0x4] =	wrdreg $0x9  }
0x38: {  	_ =	task.clear_ibuf [dreg:s23], $0x5FFFF;
	_ =	strace $0x90000049  }
0x39: {  	s29 =	simm.s32 $0x9;
	_ =	strace $0x8000004B  }
0x3a: {  	_ =	swait.ge [sflag:s29], $0x1  }
0x3b: {  	[sflag:s29] =	ssyncadd.s32 $0xFFFFFFFF  }
0x3c: {  	_ =	strace $0x9000004B  }
0x3d: {  	_ =	sfence  }
0x3e: {  	s30 =	sld [smem:$0x0];
	_ =	sdelay $0x2  }
0x3f: {  	s31 =	sshll.u32 s1, $0xD;
	s1 =	sshrl.u32 s1, $0x2  }
0x40: {  	s4 =	sand.u32 $0x4000, s31;
	s1 =	sadd.s32 s1, s30  }
0x41: {  	s0 =	sor.u32 s4, s0;
	s1 =	sshll.u32 s1, $0x11  }
0x42: {  	s0 =	sor.u32 s1, s0  }
0x43: {  	s0 =	sadd.s32 $0x8F2B, s0  }
0x44: {  	[sflag:s0] =	ssyncadd.remote.s32 $0x1  }
0x45: {  	_ =	sfence.sel $0xFFFF  }
0x46: {  	[dreg:$0x0] =	wrdreg $0xFFFFFFFF;
	(pc) =	sbr.abs _section_cstart, $3  }
0x47: {  	[dreg:$0x1] =	wrdreg $0xFFFFFFFF  }
0x48: {  	_ =	task.clear_ibuf [dreg:s23], $0x2FFFF;
	_ =	strace $0x9FFFFFFF  }
0x49: {  	(tm) =	ssettm $0x7FFFFFFF  }
tec
execute0_lowered:
.L_overlay_start_1:
0x0: {  	(tag) =	ssettag $0x1  }
0x1: {  	s0 =	srdreg.scid;
	s2 =	rddreg [dreg:$0x0]  }
0x2: {  	s5 =	rddreg [dreg:$0x1];
	s1 =	stileid.u32  }
0x3: {  	s4 =	simm.s32 $0x1;
	s6 =	simm.s32 $0x2;
	s15 =	simm.s32 $0x0  }
0x4: {  	p0 =	por $0x0, $0x0;
	s8 =	simm.s32 $0x80;
	s0 =	sshll.u32 s0, $0x4  }
0x5: {  	s14 =	simm.s32 $0x0;
	s9 =	simm.s32 $0x0;
	s3 =	sand.u32 $0x10, s0  }
.Ltmp0:
0x6: {  	s10 =	simm.s32 $0x0;
	s3 =	sor.u32 s1, s3;
	(pc) =	sbr.rel .LBB1_1-.Ltmp0, $4  }
0x7: {  	s0 =	rddreg [dreg:$0x2];
	_ =	strace $0x8000004A;
	s3 =	sshll.u32 s3, $0x7  }
0x8: {  	s12 =	simm.s32 $0x0;
	[sflag:s4] =	ssyncpa.u1 $0x0;
	s7 =	ssub.s32 $0xF4200, s3  }
0x9: {  	s13 =	simm.s32 $0x0;
	[sflag:s6] =	ssyncpa.u1 $0x0;
	s6 =	sshrl.u32 s7, $0xC  }
0xa: {  	s5 =	sadd.s32 $0xF44400, s5;
	s11 =	smov.u32 s3;
	s7 =	sadd.s32 $0x2, s6  }
.LBB1_5:
0xb: {  	p1 =	slt.u32 s13, $0x2  }
0xc: {  	s17 =	smov.u32 s15;
	p2 =	sgt.s32 @!p1 s15, $0xF41C8;
	s16 =	sshra.s32 @!p1 s15, $0x1F  }
0xd: {  	p3 =	sgt.s32 @!p1 s14, $0x60;
	s18 =	sshra.s32 @!p1 s14, $0x1F;
	p2 =	por !p2, p1  }
0xe: {  	s15 =	sand.u32 @!p1 s16, s15;
	p3 =	por !p3, p1;
	s16 =	smov.u32 s14  }
0xf: {  	s14 =	sand.u32 @!p1 s18, s14;
	s17 =	simm.s32 @p2 $0xF41C8;
	s16 =	simm.s32 @p3 $0x60  }
0x10: {  	s15 =	ssub.s32 @!p1 s17, s15;
	s14 =	ssub.s32 @!p1 s16, s14  }
0x11: {  	s18 =	smov.u32 s12;
	s16 =	sadd.s32 @!p1 $0xFFF0BE38, s15;
	s17 =	sadd.s32 @!p1 $0xFFFFFFA0, s14  }
0x12: {  	s15 =	ssub.s32 @!p1 $0xF4248, s15;
	p2 =	sgt.s32 @!p1 s16, $0x7F;
	p3 =	sgt.s32 @!p1 s17, $0x1F  }
0x13: {  	s14 =	ssub.s32 @!p1 $0x80, s14;
	p2 =	por !p2, p1;
	p3 =	por !p3, p1  }
0x14: {  	s16 =	sadd.s32 $0x1000, s11;
	s15 =	simm.s32 @!p2 $0x0;
	s14 =	simm.s32 @!p3 $0x0  }
0x15: {  	p2 =	sgt.s32 s16, $0xF4240;
	s14 =	smul.u32 @!p1 s14, s15;
	s15 =	sadd.s32 $0x20, s12  }
0x16: {  	s18 =	smov.u32 @p2 s15  }
0x17: {  	s16 =	smov.u32 @p2 s3;
	p2 =	sgt.s32 s18, $0x1F  }
0x18: {  	s18 =	simm.s32 @p2 $0x0;
	p2 =	sne.s32 s13, s7  }
.Ltmp1:
0x19: {  	p0 =	por !p0, !p0;
	s17 =	simm.s32 @!p1 $0x2;
	(pc) =	sbr.rel @!p2 .LBB1_6-.Ltmp1, $4  }
0x1a: {  	s15 =	smov.u32 s9;
	s9 =	smov.u32 s11;
	s14 =	sand.u32 @!p1 $0x3FFFFFFF, s14  }
0x1b: {  	s11 =	smov.u32 s16;
	_ =	swait.ge @!p1 [sflag:s17], s14;
	s19 =	ssub.s32 @!p1 $0x0, s14  }
0x1c: {  	s14 =	smov.u32 s10;
	s13 =	sadd.s32 $0x1, s13;
	[sflag:s17] =	ssyncset.done @!p1 $0x0  }
0x1d: {  	s10 =	smov.u32 s12;
	s12 =	smov.u32 s18;
	[sflag:s17] =	ssyncadd.s32 @!p1 s19  }
.LBB1_1:
0x1e: {  	p1 =	sgt.u32 s13, s6  }
0x1f: {  	s16 =	sshrl.u32 @!p1 s12, $0x3  }
0x20: {  	s17 =	sshll.u32 @!p1 s11, $0x3;
	s16 =	smul.u32 @!p1 $0x7A1400, s16  }
0x21: {  	s18 =	sshll.u32 @!p1 s12, $0x7;
	s17 =	sand.u32 @!p1 $0xFFFFFC00, s17  }
0x22: {  	s16 =	sadd.s32 @!p1 s16, s17;
	s17 =	sand.u32 @!p1 $0x380, s18  }
0x23: {  	s18 =	sand.u32 @!p1 $0x7F, s11;
	s16 =	sor.u32 @!p1 s17, s16  }
0x24: {  	s17 =	sor.u32 @!p1 s18, s16  }
0x25: {  	s18 =	smulhi.u32 @!p1 $0x218D6287, s17;
	_ =	sdelay $0x1  }
0x26: {  	s16 =	smulhi.u32 @!p1 $0x218D6287, s16;
	s18 =	sshrl.u32 @!p1 s18, $0x11  }
0x27: {  	s18 =	smul.u32 @!p1 $0xF4280, s18  }
0x28: {  	s19 =	sxor.u32 @!p1 $0xFFFFFFFF, s13;
	s16 =	sshrl.u32 @!p1 s16, $0x11  }
0x29: {  	s19 =	sshll.u32 @!p1 s19, $0xC;
	s16 =	sand.u32 @!p1 $0x1F, s16;
	s17 =	ssub.s32 @!p1 s17, s18  }
0x2a: {  	s16 =	smul.u32 @!p1 $0x1E850, s16;
	s18 =	sshrl.u32 @!p1 s17, $0x3;
	s17 =	sand.u32 @!p1 $0x7, s17  }
0x2b: {  	s19 =	sand.u32 @!p1 $0x1000, s19;
	s18 =	sadd.s32 @!p1 s2, s18;
	s17 =	sshll.u32 @!p1 s17, $0x12  }
0x2c: {  	s16 =	sadd.s32 @!p1 s16, s18;
	s17 =	sor.u32 @!p1 $0x400, s17;
	s18 =	simm.s32 @!p1 $0x7A1400  }
0x2d: {  	[tilespmem:s19], [sflag:$0x1] =	stream.strided.gather @!p1 [hbm4b:s16+s17], $0x1000, s18, s17, $0x38;
	[tilespmem:$0x4100] =	vst v63  }
0x2e: {  	p1 =	seq.s32 s13, $0x0  }
0x2f: {  	p2 =	sge.u32 @!p1 s13, s7  }
0x30: {  	p1 =	por p1, p2  }
.Ltmp2:
0x31: {  	_ = 	snop;
	(pc) =	sbr.rel @p1 .LBB1_5-.Ltmp2, $1  }
0x32: {  	_ =	sdelay $0x3  }
0x33: {  	s16 =	simm.s32 $0x1  }
0x34: {  	_ =	swait.ge [sflag:s4], $0x1000;
	s16 =	simm.s32 @!p0 $0x0  }
0x35: {  	[sflag:s4] =	ssyncset.done $0x0;
	s17 =	sshll.u32 s16, $0xC  }
0x36: {  	[sflag:s4] =	ssyncadd.s32 $0xFFFFF000;
	s17 =	sor.u32 $0x40, s17  }
0x37: {  	s16 =	smul.u32 $0x4200, s16;
	v0 =	vld [tilespmem:s17+$0x30]  }
0x38: {  	v1 =	vld [tilespmem:s17+$0xFFFFFFD0]  }
0x39: {  	s16 =	sshrl.u32 s16, $0x2;
	v5 =	vld [tilespmem:s17+$0xFFFFFFE0]  }
0x3a: {  	v6 =	vld [tilespmem:s17+$0xFFFFFFF0];
	s19 =	sor.u32 $0x2000, s16  }
0x3b: {  	s31 =	sand.u32 $0x1, s13;
	v4 =	vld [tilespmem:s17+$0x0];
	s18 =	sadd.s32 $0x0, s19  }
0x3c: {  	v3 =	vld [tilespmem:s17+$0x10];
	s16 =	smul.u32 $0x4200, s31;
	[tilespmem:s18+$0xE70 ss:$0x21] =	vst.msk $0xffff, v0  }
0x3d: {  	v2 =	vld [tilespmem:s17+$0x20];
	[tilespmem:s18+$0x210 ss:$0x21] =	vst.msk $0xffff, v1  }
0x3e: {  	s16 =	sshrl.u32 s16, $0x2;
	v1 =	vld [tilespmem:s17+$0xFFFFFFC0];
	[tilespmem:s18+$0x420 ss:$0x21] =	vst.msk $0xffff, v5;
	s17 =	sadd.s32 $0x80, s17  }
0x3f: {  	s20 =	simm.s32 $0x4;
	s21 =	simm.s32 $0x8;
	s16 =	sor.u32 $0x2000, s16;
	[tilespmem:s18+$0x630 ss:$0x21] =	vst.msk $0xffff, v6;
	v0 =	vld [tilespmem:s17+$0x30]  }
.LBB1_3:
0x40: {  	p1 =	sne.s32 s21, $0x7C;
	v5 =	vld [tilespmem:s17+$0xFFFFFFD0];
	[tilespmem:s18+$0x840 ss:$0x21] =	vst.msk $0xffff, v4  }
0x41: {  	v6 =	vld [tilespmem:s17+$0xFFFFFFE0];
	[tilespmem:s18+$0xA50 ss:$0x21] =	vst.msk $0xffff, v3  }
0x42: {  	s22 =	sshra.s32 s20, $0x2;
	s20 =	smov.u32 s21;
	v7 =	vld [tilespmem:s17+$0xFFFFFFF0];
	[tilespmem:s18+$0xC60 ss:$0x21] =	vst.msk $0xffff, v2  }
.Ltmp3:
0x43: {  	v4 =	vld [tilespmem:s17+$0x0];
	[tilespmem:s18+$0x0 ss:$0x21] =	vst.msk $0xffff, v1;
	s18 =	sadd.s32 s22, s19;
	(pc) =	sbr.rel @p1 .LBB1_3-.Ltmp3, $4  }
0x44: {  	v3 =	vld [tilespmem:s17+$0x10];
	[tilespmem:s18+$0xE70 ss:$0x21] =	vst.msk $0xffff, v0  }
0x45: {  	[tilespmem:s18+$0x210 ss:$0x21] =	vst.msk $0xffff, v5;
	v2 =	vld [tilespmem:s17+$0x20]  }
0x46: {  	v1 =	vld [tilespmem:s17+$0xFFFFFFC0];
	[tilespmem:s18+$0x420 ss:$0x21] =	vst.msk $0xffff, v6;
	s17 =	sadd.s32 $0x80, s17  }
0x47: {  	s21 =	sadd.s32 $0x4, s21;
	v0 =	vld [tilespmem:s17+$0x30];
	[tilespmem:s18+$0x630 ss:$0x21] =	vst.msk $0xffff, v7  }
0x48: {  	s21 =	sshll.u32 s9, $0x7;
	s22 =	sshll.u32 s10, $0x3;
	s20 =	sshra.s32 s20, $0x2  }
0x49: {  	p1 =	sgt.s32 s9, $0xF41C8;
	s30 =	sshra.s32 s9, $0x1F;
	s25 =	sshra.s32 s10, $0x1F  }
0x4a: {  	v5 =	vld [tilespmem:s17+$0xFFFFFFD0];
	s28 =	sshrl.u32 s10, $0x3;
	s23 =	sand.u32 $0xFFFFFC00, s21;
	s22 =	sand.u32 $0xFFFFFC00, s22  }
0x4b: {  	[tilespmem:s18+$0x840 ss:$0x21] =	vst.msk $0xffff, v4;
	v58 =	vld [tilespmem:s17+$0xFFFFFFE0];
	s21 =	sand.u32 $0x380, s21;
	s19 =	sadd.s32 s20, s19;
	s22 =	sadd.s32 s22, s23  }
0x4c: {  	v59 =	vld [tilespmem:s17+$0xFFFFFFF0];
	[tilespmem:s18+$0xA50 ss:$0x21] =	vst.msk $0xffff, v3;
	s29 =	sor.u32 s21, s22;
	s21 =	smov.u32 s9;
	s22 =	sand.u32 s30, s9  }
0x4d: {  	v60 =	vld [tilespmem:s17+$0x0];
	[tilespmem:s18+$0xC60 ss:$0x21] =	vst.msk $0xffff, v2;
	s30 =	sand.u32 $0x7, s10;
	s20 =	sshrl.u32 s29, $0x7;
	s21 =	simm.s32 @!p1 $0xF41C8  }
0x4e: {  	v61 =	vld [tilespmem:s17+$0x10];
	[tilespmem:s18+$0x0 ss:$0x21] =	vst.msk $0xffff, v1;
	p1 =	sgt.s32 s10, $0x60;
	s24 =	ssub.s32 s21, s22;
	s21 =	smov.u32 s10  }
0x4f: {  	v62 =	vld [tilespmem:s17+$0x20];
	[tilespmem:s19+$0xE70 ss:$0x21] =	vst.msk $0xffff, v0;
	s31 =	smulhi.u32 $0x218DDDB, s20;
	s22 =	sand.u32 s25, s10;
	s21 =	simm.s32 @!p1 $0x60  }
0x50: {  	v63 =	vld [tilespmem:s17+$0xFFFFFFC0];
	[tilespmem:s19+$0x210 ss:$0x21] =	vst.msk $0xffff, v5;
	s26 =	sadd.s32 $0xFFF0BE38, s24;
	s17 =	ssub.s32 $0xF4248, s24;
	s21 =	ssub.s32 s21, s22  }
0x51: {  	[tilespmem:s19+$0x420 ss:$0x21] =	vst.msk $0xffff, v58;
	s23 =	sshrl.u32 s31, $0xD;
	p1 =	sgt.s32 s26, $0x7F;
	s27 =	sadd.s32 $0xFFFFFFA0, s21  }
0x52: {  	[tilespmem:s19+$0x630 ss:$0x21] =	vst.msk $0xffff, v59;
	s23 =	smul.u32 $0xF4248, s23;
	s18 =	ssub.s32 $0x80, s21;
	p2 =	sgt.s32 s27, $0x1F  }
.Ltmp4:
0x53: {  	[tilespmem:s19+$0x840 ss:$0x21] =	vst.msk $0xffff, v60;
	s17 =	simm.s32 @p1 $0x0;
	s18 =	simm.s32 @p2 $0x0;
	(pc) =	sbr.rel .LBB1_5-.Ltmp4, $4  }
0x54: {  	s29 =	sand.u32 $0xF, s28;
	[tilespmem:s19+$0xA50 ss:$0x21] =	vst.msk $0xffff, v61;
	s20 =	ssub.s32 s20, s23;
	s17 =	smul.u32 s18, s17  }
0x55: {  	[tilespmem:s19+$0xC60 ss:$0x21] =	vst.msk $0xffff, v62;
	s21 =	sshll.u32 s30, $0x12;
	s20 =	sshll.u32 s20, $0x4;
	s18 =	sadd.s32 s5, s29  }
0x56: {  	[tilespmem:s19+$0x0 ss:$0x21] =	vst.msk $0xffff, v63;
	s31 =	sor.u32 $0x20, s21;
	s18 =	sadd.s32 s20, s18;
	s17 =	sand.u32 $0x3FFFFFFF, s17  }
0x57: {  	[hbm4b:s18+s31] =	stream.strided.scatter [tilespmem:s16], [sflag:$0x2], s17, s8, s31, $0x10;
	[tilespmem:$0x4100] =	vst v63  }
.LBB1_6:
0x58: {  	_ =	sfence.sel $0x180000  }
0x59: {  	s2 =	simm.s32 $0x1;
	[bflag:$0x0] =	sbarrier.arrive $0xFFFF  }
0x5a: {  	s31 =	simm.s32 $0x2;
	[sflag:s2] =	ssyncpa.u1 $0x1  }
0x5b: {  	[sflag:s31] =	ssyncpa.u1 $0x1  }
0x5c: {  	p0 =	sne.s32 s1, $0x0;
	_ =	strace $0x9000004A  }
0x5d: {  	s0 =	sadd.s32 @!p0 $0x100000, s0;
	[bflag:$0x2] =	sbarrier.arrive $0xFFFF  }
0x5e: {  	[sflag:s0] =	ssyncadd.tile.s32 @!p0 $0x1;
	_ =	shalt  }
.Lfunc_end1:
_tile_overlayer_lowered:
.L_overlay_start_2:
0x5f: {  	(tag) =	ssettag $0x2  }
0x60: {  	s0 =	rddreg [dreg:$0x0];
	s2 =	stileid.u32  }
0x61: {  	s1 =	rddreg [dreg:$0x1];
	p0 =	sne.s32 s2, $0x0  }
0x62: {  	s3 =	rddreg [dreg:$0x2];
	[bflag:$0x3] =	sbarrier.arrive $0xFFFF;
	s2 =	simm.s32 @!p0 $0x1C01  }
0x63: {  	[timem:s3], [sflag:s2] =	dma.local @!p0 [hbm:s0], s1  }
0x64: {  	s0 =	simm.s32 @!p0 $0x1  }
0x65: {  	_ =	swait.ge @!p0 [sflag:s0], s1  }
0x66: {  	s1 =	ssub.s32 @!p0 $0x0, s1;
	[sflag:s0] =	ssyncset.done @!p0 $0x0  }
0x67: {  	[sflag:s0] =	ssyncadd.s32 @!p0 s1  }
0x68: {  	[bflag:$0x3] =	sbarrier.arrive $0xFFFF  }
0x69: {  	_ =	shalt  }

</sc_bundles>
